<compile_context>
chip_gen: v7x
topology: tpu7x:2x2x1
jax: 0.10.2.dev20260603
libtpu: 0.0.44.dev20260713+nightly
codegen_flags: <defaults>
</compile_context>

<pallas_src>
import functools

import jax
import jax.numpy as jnp
from jax import lax
from jax.experimental import pallas as pl
from jax.experimental.pallas import tpu as pltpu
from jax.experimental.pallas import tpu_sc as plsc


def _gating_body(gwT_ref, xT_ref, gb_ref, bias_ref, cT_ref, touched_ref, bpart_ref):
    E, B = cT_ref.shape
    logits = (
        jnp.dot(gwT_ref[...], xT_ref[...], preferred_element_type=jnp.float32)
        + gb_ref[...]
    )
    m = jnp.max(logits, axis=0, keepdims=True)
    p = jnp.exp(logits - m)
    g = p / jnp.sum(p, axis=0, keepdims=True)

    r_iota = lax.broadcasted_iota(jnp.int32, (E, B), 0)
    m1 = jnp.max(g, axis=0, keepdims=True)
    idx1 = jnp.min(jnp.where(g == m1, r_iota, E), axis=0, keepdims=True)
    oh1 = r_iota == idx1
    gm = jnp.where(oh1, -1.0, g)
    m2 = jnp.max(gm, axis=0, keepdims=True)
    idx2 = jnp.min(jnp.where(gm == m2, r_iota, E), axis=0, keepdims=True)
    oh2 = r_iota == idx2
    sel = oh1 | oh2
    cT = jnp.where(sel, g, 0.0)
    cT_ref[...] = cT
    touched_ref[...] = jnp.max(sel.astype(jnp.int32), axis=1, keepdims=True)
    bpart_ref[...] = lax.dot_general(
        cT, bias_ref[...], (((0,), (0,)), ((), ())),
        preferred_element_type=jnp.float32,
    )


def _route_body(touched_hbm, ids_hbm, nv_hbm, touched_v, ids_v, nv_v):
    cid = lax.axis_index("c")
    sid = lax.axis_index("s")
    E = touched_hbm.shape[0]
    NCH = E // 16
    pltpu.sync_copy(touched_hbm, touched_v)
    n = jnp.int32(0)
    lastid = jnp.int32(0)
    for k in range(NCH):
        t = touched_v[pl.ds(16 * k, 16)]
        lane = lax.iota(jnp.int32, 16)
        eids = lane + 16 * k
        sel = t > 0
        _, sv = plsc.sort_key_val(jnp.where(sel, lane, lane + 16), eids)
        ids_v[pl.ds(n, 16)] = sv
        n = n + jnp.sum(sel.astype(jnp.int32))
        lastid = jnp.maximum(lastid, jnp.max(jnp.where(sel, eids, 0)))
    for k in range(NCH):
        lane_p = lax.iota(jnp.int32, 16) + 16 * k
        cur = ids_v[pl.ds(16 * k, 16)]
        keep = lane_p < n
        ids_v[pl.ds(16 * k, 16)] = jnp.where(keep, cur, lastid)
    nv_v[pl.ds(0, 16)] = jnp.zeros((16,), jnp.int32) + n

    @pl.when((cid == 0) & (sid == 0))
    def _publish():
        pltpu.sync_copy(ids_v.at[pl.ds(0, E)], ids_hbm)
        pltpu.sync_copy(nv_v, nv_hbm)


_NBUF = 4


def _moe_body(ids_ref, nv_ref, x_ref, cT_ref, bpart_ref, w_hbm, out_ref, wbuf, sems):
    n = nv_ref[0]
    B = x_ref.shape[0]
    E = cT_ref.shape[0]
    out_ref[...] = bpart_ref[...]

    def start(i, slot):
        pltpu.make_async_copy(
            w_hbm.at[pl.ds(ids_ref[i], 1)],
            wbuf.at[pl.ds(slot, 1)],
            sems.at[slot],
        ).start()

    for s in range(_NBUF):

        @pl.when(s < n)
        def _(s=s):
            start(s, s)

    ri = lax.broadcasted_iota(jnp.int32, (B, B), 0)
    ci = lax.broadcasted_iota(jnp.int32, (B, B), 1)
    r_iota = lax.broadcasted_iota(jnp.int32, (E, B), 0)

    def body(i4, carry):
        for k in range(_NBUF):
            i = i4 * _NBUF + k

            @pl.when(i < n)
            def _(i=i, k=k):
                pltpu.make_async_copy(
                    w_hbm.at[pl.ds(ids_ref[i], 1)],
                    wbuf.at[pl.ds(k, 1)],
                    sems.at[k],
                ).wait()
                e_id = ids_ref[i]
                contrib = jnp.dot(
                    x_ref[...], wbuf[k], preferred_element_type=jnp.float32
                )
                crow = jnp.sum(
                    jnp.where(r_iota == e_id, cT_ref[...], 0.0),
                    axis=0,
                    keepdims=True,
                )
                diag = jnp.where(ri == ci, jnp.broadcast_to(crow, (B, B)), 0.0)
                out_ref[...] += jnp.dot(
                    diag, contrib, preferred_element_type=jnp.float32
                )

                @pl.when(i + _NBUF < n)
                def _start_next():
                    start(i + _NBUF, k)

        return carry

    lax.fori_loop(0, (n + _NBUF - 1) // _NBUF, body, 0)


def kernel(x, experts_weights, experts_bias, gate_w, gate_b):
    B, D_in = x.shape
    E, _, D_out = experts_weights.shape

    cT, touched, bpart = pl.pallas_call(
        _gating_body,
        out_shape=[
            jax.ShapeDtypeStruct((E, B), jnp.float32),
            jax.ShapeDtypeStruct((E, 1), jnp.int32),
            jax.ShapeDtypeStruct((B, D_out), jnp.float32),
        ],
    )(gate_w.T, x.T, gate_b.reshape(E, 1), experts_bias)

    route = pl.kernel(
        _route_body,
        out_type=[
            jax.ShapeDtypeStruct((E,), jnp.int32),
            jax.ShapeDtypeStruct((16,), jnp.int32),
        ],
        scratch_types=[
            pltpu.VMEM((E,), jnp.int32),
            pltpu.VMEM((E + 16,), jnp.int32),
            pltpu.VMEM((16,), jnp.int32),
        ],
        mesh=plsc.VectorSubcoreMesh(core_axis_name="c", subcore_axis_name="s"),
        compiler_params=pltpu.CompilerParams(needs_layout_passes=False),
    )
    ids, nv = route(touched.reshape(E))

    out = pl.pallas_call(
        _moe_body,
        in_specs=[
            pl.BlockSpec(memory_space=pltpu.SMEM),
            pl.BlockSpec(memory_space=pltpu.SMEM),
            pl.BlockSpec((B, D_in), lambda: (0, 0)),
            pl.BlockSpec((E, B), lambda: (0, 0)),
            pl.BlockSpec((B, D_out), lambda: (0, 0)),
            pl.BlockSpec(memory_space=pltpu.MemorySpace.HBM),
        ],
        out_specs=pl.BlockSpec((B, D_out), lambda: (0, 0)),
        out_shape=jax.ShapeDtypeStruct((B, D_out), jnp.float32),
        scratch_shapes=[
            pltpu.VMEM((_NBUF, D_in, D_out), jnp.float32),
            pltpu.SemaphoreType.DMA((_NBUF,)),
        ],
    )(ids, nv, x, cT, bpart, experts_weights)
    return out

# --- scband reference (transcript-rebuilt; emitter-appended) ---
"""Pipeline reference for scband-mo-e-39487929319969 (READ-ONLY COPY).

The authoritative reference and input builder live on the scoring server;
editing this copy changes nothing except your own understanding.
"""

import jax, jax.numpy as jnp
import numpy as np

B = 64
D_IN = 768
D_OUT = 768
E = 64
TOPK = 2


def setup_inputs(seed: int = 0) -> dict:
    key = jax.random.key(seed)
    k0, k1, k2 = jax.random.split(key, 3)
    x = jax.random.normal(k0, (B, D_IN), dtype=jnp.float32)
    experts_weights = jax.random.normal(k1, (E, D_IN, D_OUT), dtype=jnp.float32)
    experts_bias = jnp.zeros((E, D_OUT), dtype=jnp.float32)
    gate_w = jax.random.normal(k2, (D_IN, E), dtype=jnp.float32) * 0.02
    gate_b = jnp.zeros((E,), dtype=jnp.float32)
    return {"x": x, "experts_weights": experts_weights, "experts_bias": experts_bias, "gate_w": gate_w, "gate_b": gate_b}


def reference(x, experts_weights, experts_bias, gate_w, gate_b):
    # GatingNetwork: softmax(Linear(x))
    logits = jnp.dot(x, gate_w) + gate_b                      # [B, E]
    gate_outputs = jax.nn.softmax(logits, axis=-1)            # [B, E]
    # top-k routing
    top_k_values, top_k_indices = jax.lax.top_k(gate_outputs, TOPK)  # [B, k]
    # gather full expert weight matrices per token (memory-bound)
    selected_experts_weights = jnp.take(experts_weights, top_k_indices, axis=0)  # [B, k, D_IN, D_OUT]
    selected_experts_bias = jnp.take(experts_bias, top_k_indices, axis=0)        # [B, k, D_OUT]
    x_expanded = jnp.broadcast_to(x[:, None, :], (x.shape[0], TOPK, x.shape[1]))  # [B, k, D_IN]
    selected_expert_outputs = jnp.einsum('bki,bkio->bko', x_expanded, selected_experts_weights) + selected_experts_bias
    weighted = selected_expert_outputs * top_k_values[..., None]
    output = jnp.sum(weighted, axis=1)                        # [B, D_OUT]
    return output

if __name__ == "__main__":
    import jax
    _d = setup_inputs()
    print(jax.jit(kernel)(*tuple(_d.values())))

</pallas_src>

<mosaic_0001>
#map = affine_map<(d0, d1) -> (0)>
module attributes {stable_mosaic.version = 14 : i64} {
  func.func @_route_body(%arg0: i32, %arg1: i32, %arg2: memref<64xi32, #tpu.memory_space<hbm>>, %arg3: memref<64xi32, #tpu.memory_space<hbm>>, %arg4: memref<16xi32, #tpu.memory_space<hbm>>, %arg5: memref<64xi32, #tpu.memory_space<vmem>>, %arg6: memref<80xi32, #tpu.memory_space<vmem>>, %arg7: memref<16xi32, #tpu.memory_space<vmem>>) attributes {dimension_semantics = [#tpu.dimension_semantics<core_parallel>, #tpu.dimension_semantics<subcore_parallel>], iteration_bounds = array<i64: 2, 16>, scalar_prefetch = 0 : i64, scratch_operands = 3 : i64, tpu.core_type = #tpu.core_type<sc_vector_subcore>, window_params = [{transform_indices = #map}, {transform_indices = #map}, {transform_indices = #map}]} {
    "tpu.region"() ({
      %run_scoped3A = tpu.sem_alloc : memref<!tpu.dma_semaphore, #tpu.memory_space<semaphore_mem>>
      tpu.enqueue_dma source(%arg2 : memref<64xi32, #tpu.memory_space<hbm>>) target(%arg5 : memref<64xi32, #tpu.memory_space<vmem>>) target_semaphore(%run_scoped3A : memref<!tpu.dma_semaphore, #tpu.memory_space<semaphore_mem>>)
      tpu.wait_dma2 semaphore(%run_scoped3A : memref<!tpu.dma_semaphore, #tpu.memory_space<semaphore_mem>>) src(%arg2 : memref<64xi32, #tpu.memory_space<hbm>>) dst(%arg5 : memref<64xi32, #tpu.memory_space<vmem>>)
      tpu.yield
    }) : () -> ()
    %get3A = arith.constant 0 : index
    %get3A_0 = tpu.vector_load %arg5[%get3A] {strides = array<i32>} : memref<64xi32, #tpu.memory_space<vmem>>, vector<16xi32>,
    %iota3A = tpu.iota {dimensions = array<i32: 0>} : vector<16xi32>
    %add3A = arith.constant 0 : i32
    %add3A_1 = vector.broadcast %add3A : i32 to vector<16xi32>
    %add3A_2 = arith.addi %iota3A, %add3A_1 : vector<16xi32>
    %gt3A = arith.constant 0 : i32
    %gt3A_3 = vector.broadcast %gt3A : i32 to vector<16xi32>
    %gt3A_4 = arith.cmpi sgt, %get3A_0, %gt3A_3 : vector<16xi32>
    %add3A_5 = arith.constant 16 : i32
    %add3A_6 = vector.broadcast %add3A_5 : i32 to vector<16xi32>
    %add3A_7 = arith.addi %iota3A, %add3A_6 : vector<16xi32>
    %select_n3A = arith.select %gt3A_4, %iota3A, %add3A_7 : vector<16xi1>, vector<16xi32>
    %masked_sort3A = arith.constant dense<true> : vector<16xi1>
    %masked_sort3A_8 = arith.constant -2147483648 : i32
    %masked_sort3A_9 = vector.broadcast %masked_sort3A_8 : i32 to vector<16xi32>
    %masked_sort3A_10 = arith.xori %select_n3A, %masked_sort3A_9 : vector<16xi32>
    %masked_sort3A_11, %masked_sort3A_12, %masked_sort3A_13 = tpu.sort %masked_sort3A_10, %add3A_2 masked %masked_sort3A : (vector<16xi32>, vector<16xi32>, vector<16xi1>) -> (vector<16xi1>, vector<16xi32>, vector<16xi32>)
    %masked_sort3A_14 = arith.xori %masked_sort3A_12, %masked_sort3A_9 : vector<16xi32>
    %swap3A = arith.constant 0 : i32
    %swap3A_15 = arith.index_cast %swap3A : i32 to index
    %swap3A_16 = tpu.vector_load %arg6[%swap3A_15] {strides = array<i32>} : memref<80xi32, #tpu.memory_space<vmem>>, vector<16xi32>,
    tpu.vector_store %arg6[%swap3A_15], %masked_sort3A_13 {strides = array<i32>} : memref<80xi32, #tpu.memory_space<vmem>>, vector<16xi32>,
    %convert_element_type3A = arith.extui %gt3A_4 : vector<16xi1> to vector<16xi32>
    %reduce_sum3A = arith.constant true
    %reduce_sum3A_17 = vector.broadcast %reduce_sum3A : i1 to vector<16xi1>
    %reduce_sum3A_18 = tpu.scan <sum>, %convert_element_type3A masked %reduce_sum3A_17 : vector<16xi32>, vector<16xi1> -> vector<16xi32>
    %reduce_sum3A_19 = vector.extract %reduce_sum3A_18[15] : i32 from vector<16xi32>
    %add3A_20 = arith.constant 0 : i32
    %add3A_21 = arith.addi %add3A_20, %reduce_sum3A_19 : i32
    %jit3A = arith.constant 0 : i32
    %broadcast_in_dim3A = vector.broadcast %jit3A : i32 to vector<16xi32>
    %select_n3A_22 = arith.select %gt3A_4, %add3A_2, %broadcast_in_dim3A : vector<16xi1>, vector<16xi32>
    %reduce_max3A = arith.constant true
    %reduce_max3A_23 = vector.broadcast %reduce_max3A : i1 to vector<16xi1>
    %reduce_max3A_24 = arith.constant -2147483648 : i32
    %reduce_max3A_25 = vector.broadcast %reduce_max3A_24 : i32 to vector<16xi32>
    %reduce_max3A_26 = arith.xori %select_n3A_22, %reduce_max3A_25 : vector<16xi32>
    %reduce_max3A_27 = tpu.scan <max>, %reduce_max3A_26 masked %reduce_max3A_23 : vector<16xi32>, vector<16xi1> -> vector<16xi32>
    %reduce_max3A_28 = arith.xori %reduce_max3A_27, %reduce_max3A_25 : vector<16xi32>
    %reduce_max3A_29 = vector.extract %reduce_max3A_28[15] : i32 from vector<16xi32>
    %max3A = arith.constant 0 : i32
    %max3A_30 = arith.maxsi %max3A, %reduce_max3A_29 : i32
    %get3A_31 = arith.constant 16 : index
    %get3A_32 = tpu.vector_load %arg5[%get3A_31] {strides = array<i32>} : memref<64xi32, #tpu.memory_space<vmem>>, vector<16xi32>,
    %iota3A_33 = tpu.iota {dimensions = array<i32: 0>} : vector<16xi32>
    %add3A_34 = arith.constant 16 : i32
    %add3A_35 = vector.broadcast %add3A_34 : i32 to vector<16xi32>
    %add3A_36 = arith.addi %iota3A_33, %add3A_35 : vector<16xi32>
    %gt3A_37 = arith.constant 0 : i32
    %gt3A_38 = vector.broadcast %gt3A_37 : i32 to vector<16xi32>
    %gt3A_39 = arith.cmpi sgt, %get3A_32, %gt3A_38 : vector<16xi32>
    %add3A_40 = arith.constant 16 : i32
    %add3A_41 = vector.broadcast %add3A_40 : i32 to vector<16xi32>
    %add3A_42 = arith.addi %iota3A_33, %add3A_41 : vector<16xi32>
    %select_n3A_43 = arith.select %gt3A_39, %iota3A_33, %add3A_42 : vector<16xi1>, vector<16xi32>
    %masked_sort3A_44 = arith.constant dense<true> : vector<16xi1>
    %masked_sort3A_45 = arith.constant -2147483648 : i32
    %masked_sort3A_46 = vector.broadcast %masked_sort3A_45 : i32 to vector<16xi32>
    %masked_sort3A_47 = arith.xori %select_n3A_43, %masked_sort3A_46 : vector<16xi32>
    %masked_sort3A_48, %masked_sort3A_49, %masked_sort3A_50 = tpu.sort %masked_sort3A_47, %add3A_36 masked %masked_sort3A_44 : (vector<16xi32>, vector<16xi32>, vector<16xi1>) -> (vector<16xi1>, vector<16xi32>, vector<16xi32>)
    %masked_sort3A_51 = arith.xori %masked_sort3A_49, %masked_sort3A_46 : vector<16xi32>
    %swap3A_52 = arith.index_cast %add3A_21 : i32 to index
    %swap3A_53 = tpu.vector_load %arg6[%swap3A_52] {strides = array<i32>} : memref<80xi32, #tpu.memory_space<vmem>>, vector<16xi32>,
    tpu.vector_store %arg6[%swap3A_52], %masked_sort3A_50 {strides = array<i32>} : memref<80xi32, #tpu.memory_space<vmem>>, vector<16xi32>,
    %convert_element_type3A_54 = arith.extui %gt3A_39 : vector<16xi1> to vector<16xi32>
    %reduce_sum3A_55 = arith.constant true
    %reduce_sum3A_56 = vector.broadcast %reduce_sum3A_55 : i1 to vector<16xi1>
    %reduce_sum3A_57 = tpu.scan <sum>, %convert_element_type3A_54 masked %reduce_sum3A_56 : vector<16xi32>, vector<16xi1> -> vector<16xi32>
    %reduce_sum3A_58 = vector.extract %reduce_sum3A_57[15] : i32 from vector<16xi32>
    %add3A_59 = arith.addi %add3A_21, %reduce_sum3A_58 : i32
    %jit3A_60 = arith.constant 0 : i32
    %broadcast_in_dim3A_61 = vector.broadcast %jit3A_60 : i32 to vector<16xi32>
    %select_n3A_62 = arith.select %gt3A_39, %add3A_36, %broadcast_in_dim3A_61 : vector<16xi1>, vector<16xi32>
    %reduce_max3A_63 = arith.constant true
    %reduce_max3A_64 = vector.broadcast %reduce_max3A_63 : i1 to vector<16xi1>
    %reduce_max3A_65 = arith.constant -2147483648 : i32
    %reduce_max3A_66 = vector.broadcast %reduce_max3A_65 : i32 to vector<16xi32>
    %reduce_max3A_67 = arith.xori %select_n3A_62, %reduce_max3A_66 : vector<16xi32>
    %reduce_max3A_68 = tpu.scan <max>, %reduce_max3A_67 masked %reduce_max3A_64 : vector<16xi32>, vector<16xi1> -> vector<16xi32>
    %reduce_max3A_69 = arith.xori %reduce_max3A_68, %reduce_max3A_66 : vector<16xi32>
    %reduce_max3A_70 = vector.extract %reduce_max3A_69[15] : i32 from vector<16xi32>
    %max3A_71 = arith.maxsi %max3A_30, %reduce_max3A_70 : i32
    %get3A_72 = arith.constant 32 : index
    %get3A_73 = tpu.vector_load %arg5[%get3A_72] {strides = array<i32>} : memref<64xi32, #tpu.memory_space<vmem>>, vector<16xi32>,
    %iota3A_74 = tpu.iota {dimensions = array<i32: 0>} : vector<16xi32>
    %add3A_75 = arith.constant 32 : i32
    %add3A_76 = vector.broadcast %add3A_75 : i32 to vector<16xi32>
    %add3A_77 = arith.addi %iota3A_74, %add3A_76 : vector<16xi32>
    %gt3A_78 = arith.constant 0 : i32
    %gt3A_79 = vector.broadcast %gt3A_78 : i32 to vector<16xi32>
    %gt3A_80 = arith.cmpi sgt, %get3A_73, %gt3A_79 : vector<16xi32>
    %add3A_81 = arith.constant 16 : i32
    %add3A_82 = vector.broadcast %add3A_81 : i32 to vector<16xi32>
    %add3A_83 = arith.addi %iota3A_74, %add3A_82 : vector<16xi32>
    %select_n3A_84 = arith.select %gt3A_80, %iota3A_74, %add3A_83 : vector<16xi1>, vector<16xi32>
    %masked_sort3A_85 = arith.constant dense<true> : vector<16xi1>
    %masked_sort3A_86 = arith.constant -2147483648 : i32
    %masked_sort3A_87 = vector.broadcast %masked_sort3A_86 : i32 to vector<16xi32>
    %masked_sort3A_88 = arith.xori %select_n3A_84, %masked_sort3A_87 : vector<16xi32>
    %masked_sort3A_89, %masked_sort3A_90, %masked_sort3A_91 = tpu.sort %masked_sort3A_88, %add3A_77 masked %masked_sort3A_85 : (vector<16xi32>, vector<16xi32>, vector<16xi1>) -> (vector<16xi1>, vector<16xi32>, vector<16xi32>)
    %masked_sort3A_92 = arith.xori %masked_sort3A_90, %masked_sort3A_87 : vector<16xi32>
    %swap3A_93 = arith.index_cast %add3A_59 : i32 to index
    %swap3A_94 = tpu.vector_load %arg6[%swap3A_93] {strides = array<i32>} : memref<80xi32, #tpu.memory_space<vmem>>, vector<16xi32>,
    tpu.vector_store %arg6[%swap3A_93], %masked_sort3A_91 {strides = array<i32>} : memref<80xi32, #tpu.memory_space<vmem>>, vector<16xi32>,
    %convert_element_type3A_95 = arith.extui %gt3A_80 : vector<16xi1> to vector<16xi32>
    %reduce_sum3A_96 = arith.constant true
    %reduce_sum3A_97 = vector.broadcast %reduce_sum3A_96 : i1 to vector<16xi1>
    %reduce_sum3A_98 = tpu.scan <sum>, %convert_element_type3A_95 masked %reduce_sum3A_97 : vector<16xi32>, vector<16xi1> -> vector<16xi32>
    %reduce_sum3A_99 = vector.extract %reduce_sum3A_98[15] : i32 from vector<16xi32>
    %add3A_100 = arith.addi %add3A_59, %reduce_sum3A_99 : i32
    %jit3A_101 = arith.constant 0 : i32
    %broadcast_in_dim3A_102 = vector.broadcast %jit3A_101 : i32 to vector<16xi32>
    %select_n3A_103 = arith.select %gt3A_80, %add3A_77, %broadcast_in_dim3A_102 : vector<16xi1>, vector<16xi32>
    %reduce_max3A_104 = arith.constant true
    %reduce_max3A_105 = vector.broadcast %reduce_max3A_104 : i1 to vector<16xi1>
    %reduce_max3A_106 = arith.constant -2147483648 : i32
    %reduce_max3A_107 = vector.broadcast %reduce_max3A_106 : i32 to vector<16xi32>
    %reduce_max3A_108 = arith.xori %select_n3A_103, %reduce_max3A_107 : vector<16xi32>
    %reduce_max3A_109 = tpu.scan <max>, %reduce_max3A_108 masked %reduce_max3A_105 : vector<16xi32>, vector<16xi1> -> vector<16xi32>
    %reduce_max3A_110 = arith.xori %reduce_max3A_109, %reduce_max3A_107 : vector<16xi32>
    %reduce_max3A_111 = vector.extract %reduce_max3A_110[15] : i32 from vector<16xi32>
    %max3A_112 = arith.maxsi %max3A_71, %reduce_max3A_111 : i32
    %get3A_113 = arith.constant 48 : index
    %get3A_114 = tpu.vector_load %arg5[%get3A_113] {strides = array<i32>} : memref<64xi32, #tpu.memory_space<vmem>>, vector<16xi32>,
    %iota3A_115 = tpu.iota {dimensions = array<i32: 0>} : vector<16xi32>
    %add3A_116 = arith.constant 48 : i32
    %add3A_117 = vector.broadcast %add3A_116 : i32 to vector<16xi32>
    %add3A_118 = arith.addi %iota3A_115, %add3A_117 : vector<16xi32>
    %gt3A_119 = arith.constant 0 : i32
    %gt3A_120 = vector.broadcast %gt3A_119 : i32 to vector<16xi32>
    %gt3A_121 = arith.cmpi sgt, %get3A_114, %gt3A_120 : vector<16xi32>
    %add3A_122 = arith.constant 16 : i32
    %add3A_123 = vector.broadcast %add3A_122 : i32 to vector<16xi32>
    %add3A_124 = arith.addi %iota3A_115, %add3A_123 : vector<16xi32>
    %select_n3A_125 = arith.select %gt3A_121, %iota3A_115, %add3A_124 : vector<16xi1>, vector<16xi32>
    %masked_sort3A_126 = arith.constant dense<true> : vector<16xi1>
    %masked_sort3A_127 = arith.constant -2147483648 : i32
    %masked_sort3A_128 = vector.broadcast %masked_sort3A_127 : i32 to vector<16xi32>
    %masked_sort3A_129 = arith.xori %select_n3A_125, %masked_sort3A_128 : vector<16xi32>
    %masked_sort3A_130, %masked_sort3A_131, %masked_sort3A_132 = tpu.sort %masked_sort3A_129, %add3A_118 masked %masked_sort3A_126 : (vector<16xi32>, vector<16xi32>, vector<16xi1>) -> (vector<16xi1>, vector<16xi32>, vector<16xi32>)
    %masked_sort3A_133 = arith.xori %masked_sort3A_131, %masked_sort3A_128 : vector<16xi32>
    %swap3A_134 = arith.index_cast %add3A_100 : i32 to index
    %swap3A_135 = tpu.vector_load %arg6[%swap3A_134] {strides = array<i32>} : memref<80xi32, #tpu.memory_space<vmem>>, vector<16xi32>,
    tpu.vector_store %arg6[%swap3A_134], %masked_sort3A_132 {strides = array<i32>} : memref<80xi32, #tpu.memory_space<vmem>>, vector<16xi32>,
    %convert_element_type3A_136 = arith.extui %gt3A_121 : vector<16xi1> to vector<16xi32>
    %reduce_sum3A_137 = arith.constant true
    %reduce_sum3A_138 = vector.broadcast %reduce_sum3A_137 : i1 to vector<16xi1>
    %reduce_sum3A_139 = tpu.scan <sum>, %convert_element_type3A_136 masked %reduce_sum3A_138 : vector<16xi32>, vector<16xi1> -> vector<16xi32>
    %reduce_sum3A_140 = vector.extract %reduce_sum3A_139[15] : i32 from vector<16xi32>
    %add3A_141 = arith.addi %add3A_100, %reduce_sum3A_140 : i32
    %jit3A_142 = arith.constant 0 : i32
    %broadcast_in_dim3A_143 = vector.broadcast %jit3A_142 : i32 to vector<16xi32>
    %select_n3A_144 = arith.select %gt3A_121, %add3A_118, %broadcast_in_dim3A_143 : vector<16xi1>, vector<16xi32>
    %reduce_max3A_145 = arith.constant true
    %reduce_max3A_146 = vector.broadcast %reduce_max3A_145 : i1 to vector<16xi1>
    %reduce_max3A_147 = arith.constant -2147483648 : i32
    %reduce_max3A_148 = vector.broadcast %reduce_max3A_147 : i32 to vector<16xi32>
    %reduce_max3A_149 = arith.xori %select_n3A_144, %reduce_max3A_148 : vector<16xi32>
    %reduce_max3A_150 = tpu.scan <max>, %reduce_max3A_149 masked %reduce_max3A_146 : vector<16xi32>, vector<16xi1> -> vector<16xi32>
    %reduce_max3A_151 = arith.xori %reduce_max3A_150, %reduce_max3A_148 : vector<16xi32>
    %reduce_max3A_152 = vector.extract %reduce_max3A_151[15] : i32 from vector<16xi32>
    %max3A_153 = arith.maxsi %max3A_112, %reduce_max3A_152 : i32
    %iota3A_154 = tpu.iota {dimensions = array<i32: 0>} : vector<16xi32>
    %add3A_155 = arith.constant 0 : i32
    %add3A_156 = vector.broadcast %add3A_155 : i32 to vector<16xi32>
    %add3A_157 = arith.addi %iota3A_154, %add3A_156 : vector<16xi32>
    %get3A_158 = arith.constant 0 : index
    %get3A_159 = tpu.vector_load %arg6[%get3A_158] {strides = array<i32>} : memref<80xi32, #tpu.memory_space<vmem>>, vector<16xi32>,
    %lt3A = vector.broadcast %add3A_141 : i32 to vector<16xi32>
    %lt3A_160 = arith.cmpi slt, %add3A_157, %lt3A : vector<16xi32>
    %broadcast_in_dim3A_161 = vector.broadcast %max3A_153 : i32 to vector<16xi32>
    %select_n3A_162 = arith.select %lt3A_160, %get3A_159, %broadcast_in_dim3A_161 : vector<16xi1>, vector<16xi32>
    %swap3A_163 = arith.constant 0 : index
    %swap3A_164 = tpu.vector_load %arg6[%swap3A_163] {strides = array<i32>} : memref<80xi32, #tpu.memory_space<vmem>>, vector<16xi32>,
    tpu.vector_store %arg6[%swap3A_163], %select_n3A_162 {strides = array<i32>} : memref<80xi32, #tpu.memory_space<vmem>>, vector<16xi32>,
    %iota3A_165 = tpu.iota {dimensions = array<i32: 0>} : vector<16xi32>
    %add3A_166 = arith.constant 16 : i32
    %add3A_167 = vector.broadcast %add3A_166 : i32 to vector<16xi32>
    %add3A_168 = arith.addi %iota3A_165, %add3A_167 : vector<16xi32>
    %get3A_169 = arith.constant 16 : index
    %get3A_170 = tpu.vector_load %arg6[%get3A_169] {strides = array<i32>} : memref<80xi32, #tpu.memory_space<vmem>>, vector<16xi32>,
    %lt3A_171 = vector.broadcast %add3A_141 : i32 to vector<16xi32>
    %lt3A_172 = arith.cmpi slt, %add3A_168, %lt3A_171 : vector<16xi32>
    %broadcast_in_dim3A_173 = vector.broadcast %max3A_153 : i32 to vector<16xi32>
    %select_n3A_174 = arith.select %lt3A_172, %get3A_170, %broadcast_in_dim3A_173 : vector<16xi1>, vector<16xi32>
    %swap3A_175 = arith.constant 16 : index
    %swap3A_176 = tpu.vector_load %arg6[%swap3A_175] {strides = array<i32>} : memref<80xi32, #tpu.memory_space<vmem>>, vector<16xi32>,
    tpu.vector_store %arg6[%swap3A_175], %select_n3A_174 {strides = array<i32>} : memref<80xi32, #tpu.memory_space<vmem>>, vector<16xi32>,
    %iota3A_177 = tpu.iota {dimensions = array<i32: 0>} : vector<16xi32>
    %add3A_178 = arith.constant 32 : i32
    %add3A_179 = vector.broadcast %add3A_178 : i32 to vector<16xi32>
    %add3A_180 = arith.addi %iota3A_177, %add3A_179 : vector<16xi32>
    %get3A_181 = arith.constant 32 : index
    %get3A_182 = tpu.vector_load %arg6[%get3A_181] {strides = array<i32>} : memref<80xi32, #tpu.memory_space<vmem>>, vector<16xi32>,
    %lt3A_183 = vector.broadcast %add3A_141 : i32 to vector<16xi32>
    %lt3A_184 = arith.cmpi slt, %add3A_180, %lt3A_183 : vector<16xi32>
    %broadcast_in_dim3A_185 = vector.broadcast %max3A_153 : i32 to vector<16xi32>
    %select_n3A_186 = arith.select %lt3A_184, %get3A_182, %broadcast_in_dim3A_185 : vector<16xi1>, vector<16xi32>
    %swap3A_187 = arith.constant 32 : index
    %swap3A_188 = tpu.vector_load %arg6[%swap3A_187] {strides = array<i32>} : memref<80xi32, #tpu.memory_space<vmem>>, vector<16xi32>,
    tpu.vector_store %arg6[%swap3A_187], %select_n3A_186 {strides = array<i32>} : memref<80xi32, #tpu.memory_space<vmem>>, vector<16xi32>,
    %iota3A_189 = tpu.iota {dimensions = array<i32: 0>} : vector<16xi32>
    %add3A_190 = arith.constant 48 : i32
    %add3A_191 = vector.broadcast %add3A_190 : i32 to vector<16xi32>
    %add3A_192 = arith.addi %iota3A_189, %add3A_191 : vector<16xi32>
    %get3A_193 = arith.constant 48 : index
    %get3A_194 = tpu.vector_load %arg6[%get3A_193] {strides = array<i32>} : memref<80xi32, #tpu.memory_space<vmem>>, vector<16xi32>,
    %lt3A_195 = vector.broadcast %add3A_141 : i32 to vector<16xi32>
    %lt3A_196 = arith.cmpi slt, %add3A_192, %lt3A_195 : vector<16xi32>
    %broadcast_in_dim3A_197 = vector.broadcast %max3A_153 : i32 to vector<16xi32>
    %select_n3A_198 = arith.select %lt3A_196, %get3A_194, %broadcast_in_dim3A_197 : vector<16xi1>, vector<16xi32>
    %swap3A_199 = arith.constant 48 : index
    %swap3A_200 = tpu.vector_load %arg6[%swap3A_199] {strides = array<i32>} : memref<80xi32, #tpu.memory_space<vmem>>, vector<16xi32>,
    tpu.vector_store %arg6[%swap3A_199], %select_n3A_198 {strides = array<i32>} : memref<80xi32, #tpu.memory_space<vmem>>, vector<16xi32>,
    %broadcast_in_dim3A_201 = arith.constant 0 : i32
    %broadcast_in_dim3A_202 = vector.broadcast %broadcast_in_dim3A_201 : i32 to vector<16xi32>
    %add3A_203 = vector.broadcast %add3A_141 : i32 to vector<16xi32>
    %add3A_204 = arith.addi %broadcast_in_dim3A_202, %add3A_203 : vector<16xi32>
    %swap3A_205 = arith.constant 0 : index
    %swap3A_206 = tpu.vector_load %arg7[%swap3A_205] {strides = array<i32>} : memref<16xi32, #tpu.memory_space<vmem>>, vector<16xi32>,
    tpu.vector_store %arg7[%swap3A_205], %add3A_204 {strides = array<i32>} : memref<16xi32, #tpu.memory_space<vmem>>, vector<16xi32>,
    %eq3A = arith.constant 0 : i32
    %eq3A_207 = arith.cmpi eq, %arg0, %eq3A : i32
    %eq3A_208 = arith.constant 0 : i32
    %eq3A_209 = arith.cmpi eq, %arg1, %eq3A_208 : i32
    %and3A = arith.andi %eq3A_207, %eq3A_209 : i1
    %convert_element_type3A_210 = arith.extui %and3A : i1 to i32
    %cond3A = arith.constant 0 : i32
    %cond3A_211 = arith.cmpi ne, %convert_element_type3A_210, %cond3A : i32
    scf.if %cond3A_211 {
      "tpu.region"() ({
        %run_scoped3A = tpu.sem_alloc : memref<!tpu.dma_semaphore, #tpu.memory_space<semaphore_mem>>
        %dma_start3A = arith.constant 0 : i32
        %dma_start3A_212 = tpu.memref_slice %arg6[%dma_start3A] : memref<80xi32, #tpu.memory_space<vmem>> -> memref<64xi32, #tpu.memory_space<vmem>>
        %dma_start3A_213 = arith.constant 0 : i32
        %dma_start3A_214 = tpu.memref_slice %arg6[%dma_start3A_213] : memref<80xi32, #tpu.memory_space<vmem>> -> memref<64xi32, #tpu.memory_space<vmem>>
        tpu.enqueue_dma source(%dma_start3A_214 : memref<64xi32, #tpu.memory_space<vmem>>) target(%arg3 : memref<64xi32, #tpu.memory_space<hbm>>) target_semaphore(%run_scoped3A : memref<!tpu.dma_semaphore, #tpu.memory_space<semaphore_mem>>)
        %dma_wait3A = arith.constant 0 : i32
        %dma_wait3A_215 = tpu.memref_slice %arg6[%dma_wait3A] : memref<80xi32, #tpu.memory_space<vmem>> -> memref<64xi32, #tpu.memory_space<vmem>>
        %dma_wait3A_216 = arith.constant 0 : i32
        %dma_wait3A_217 = tpu.memref_slice %arg6[%dma_wait3A_216] : memref<80xi32, #tpu.memory_space<vmem>> -> memref<64xi32, #tpu.memory_space<vmem>>
        tpu.wait_dma2 semaphore(%run_scoped3A : memref<!tpu.dma_semaphore, #tpu.memory_space<semaphore_mem>>) src(%dma_wait3A_217 : memref<64xi32, #tpu.memory_space<vmem>>) dst(%arg3 : memref<64xi32, #tpu.memory_space<hbm>>)
        tpu.yield
      }) : () -> ()
      "tpu.region"() ({
        %run_scoped3A = tpu.sem_alloc : memref<!tpu.dma_semaphore, #tpu.memory_space<semaphore_mem>>
        tpu.enqueue_dma source(%arg7 : memref<16xi32, #tpu.memory_space<vmem>>) target(%arg4 : memref<16xi32, #tpu.memory_space<hbm>>) target_semaphore(%run_scoped3A : memref<!tpu.dma_semaphore, #tpu.memory_space<semaphore_mem>>)
        tpu.wait_dma2 semaphore(%run_scoped3A : memref<!tpu.dma_semaphore, #tpu.memory_space<semaphore_mem>>) src(%arg7 : memref<16xi32, #tpu.memory_space<vmem>>) dst(%arg4 : memref<16xi32, #tpu.memory_space<hbm>>)
        tpu.yield
      }) : () -> ()
    } else {
    }
    return
  }
}

module attributes {stable_mosaic.version = 14 : i64} {
  func.func @_gating_body(%arg0: memref<64x768xf32, #tpu.memory_space<vmem>>, %arg1: memref<768x64xf32, #tpu.memory_space<vmem>>, %arg2: memref<64x1xf32, #tpu.memory_space<vmem>>, %arg3: memref<64x768xf32, #tpu.memory_space<vmem>>, %arg4: memref<64x64xf32, #tpu.memory_space<vmem>>, %arg5: memref<64x1xi32, #tpu.memory_space<vmem>>, %arg6: memref<64x768xf32, #tpu.memory_space<vmem>>) attributes {dimension_semantics = [], scalar_prefetch = 0 : i64, scratch_operands = 0 : i64, tpu.core_type = #tpu.core_type<tc>} {
    %get3A = arith.constant 0 : index
    %get3A_0 = arith.constant 0 : index
    %get3A_1 = vector.load %arg0[%get3A, %get3A_0] : memref<64x768xf32, #tpu.memory_space<vmem>>, vector<64x768xf32>
    %get3A_2 = arith.constant 0 : index
    %get3A_3 = arith.constant 0 : index
    %get3A_4 = vector.load %arg1[%get3A_2, %get3A_3] : memref<768x64xf32, #tpu.memory_space<vmem>>, vector<768x64xf32>
    %dot_general3A = arith.constant dense<0.000000e+00> : vector<64x64xf32>
    %dot_general3A_5 = tpu.matmul %get3A_1, %get3A_4, %dot_general3A {dimension_numbers = #tpu.dot_dimension_numbers<[1], [0], [0], [1], [0, 0, 1, 1], [], []>, transpose_lhs_hint = false} : vector<64x768xf32>, vector<768x64xf32>, vector<64x64xf32> -> vector<64x64xf32>
    %get3A_6 = arith.constant 0 : index
    %get3A_7 = arith.constant 0 : index
    %get3A_8 = vector.load %arg2[%get3A_6, %get3A_7] : memref<64x1xf32, #tpu.memory_space<vmem>>, vector<64x1xf32>
    %add3A = vector.broadcast %get3A_8 : vector<64x1xf32> to vector<64x64xf32>
    %add3A_9 = arith.addf %dot_general3A_5, %add3A : vector<64x64xf32>
    %reduce_max3A = arith.constant dense<0xFF800000> : vector<64xf32>
    %reduce_max3A_10 = vector.multi_reduction <maximumf>, %add3A_9, %reduce_max3A [0] : vector<64x64xf32> to vector<64xf32>
    %broadcast_in_dim3A = vector.shape_cast %reduce_max3A_10 : vector<64xf32> to vector<1x64xf32>
    %sub3A = vector.broadcast %broadcast_in_dim3A : vector<1x64xf32> to vector<64x64xf32>
    %sub3A_11 = arith.subf %add3A_9, %sub3A : vector<64x64xf32>
    %exp3A = math.exp %sub3A_11 : vector<64x64xf32>
    %reduce_sum3A = arith.constant dense<0.000000e+00> : vector<64xf32>
    %reduce_sum3A_12 = vector.multi_reduction <add>, %exp3A, %reduce_sum3A [0] : vector<64x64xf32> to vector<64xf32>
    %broadcast_in_dim3A_13 = vector.shape_cast %reduce_sum3A_12 : vector<64xf32> to vector<1x64xf32>
    %div3A = vector.broadcast %broadcast_in_dim3A_13 : vector<1x64xf32> to vector<64x64xf32>
    %div3A_14 = arith.divf %exp3A, %div3A : vector<64x64xf32>
    %iota3A = tpu.iota {dimensions = array<i32: 0>} : vector<64x64xi32>
    %reduce_max3A_15 = arith.constant dense<0xFF800000> : vector<64xf32>
    %reduce_max3A_16 = vector.multi_reduction <maximumf>, %div3A_14, %reduce_max3A_15 [0] : vector<64x64xf32> to vector<64xf32>
    %broadcast_in_dim3A_17 = vector.shape_cast %reduce_max3A_16 : vector<64xf32> to vector<1x64xf32>
    %eq3A = vector.broadcast %broadcast_in_dim3A_17 : vector<1x64xf32> to vector<64x64xf32>
    %eq3A_18 = arith.cmpf oeq, %div3A_14, %eq3A : vector<64x64xf32>
    %jit3A = arith.constant 64 : i32
    %broadcast_in_dim3A_19 = vector.broadcast %jit3A : i32 to vector<64x64xi32>
    %select_n3A = arith.select %eq3A_18, %iota3A, %broadcast_in_dim3A_19 : vector<64x64xi1>, vector<64x64xi32>
    %reduce_min3A = arith.constant dense<2147483647> : vector<64xi32>
    %reduce_min3A_20 = vector.multi_reduction <minsi>, %select_n3A, %reduce_min3A [0] : vector<64x64xi32> to vector<64xi32>
    %broadcast_in_dim3A_21 = vector.shape_cast %reduce_min3A_20 : vector<64xi32> to vector<1x64xi32>
    %eq3A_22 = vector.broadcast %broadcast_in_dim3A_21 : vector<1x64xi32> to vector<64x64xi32>
    %eq3A_23 = arith.cmpi eq, %iota3A, %eq3A_22 : vector<64x64xi32>
    %jit3A_24 = arith.constant -1.000000e+00 : f32
    %broadcast_in_dim3A_25 = vector.broadcast %jit3A_24 : f32 to vector<64x64xf32>
    %select_n3A_26 = arith.select %eq3A_23, %broadcast_in_dim3A_25, %div3A_14 : vector<64x64xi1>, vector<64x64xf32>
    %reduce_max3A_27 = arith.constant dense<0xFF800000> : vector<64xf32>
    %reduce_max3A_28 = vector.multi_reduction <maximumf>, %select_n3A_26, %reduce_max3A_27 [0] : vector<64x64xf32> to vector<64xf32>
    %broadcast_in_dim3A_29 = vector.shape_cast %reduce_max3A_28 : vector<64xf32> to vector<1x64xf32>
    %eq3A_30 = vector.broadcast %broadcast_in_dim3A_29 : vector<1x64xf32> to vector<64x64xf32>
    %eq3A_31 = arith.cmpf oeq, %select_n3A_26, %eq3A_30 : vector<64x64xf32>
    %jit3A_32 = arith.constant 64 : i32
    %broadcast_in_dim3A_33 = vector.broadcast %jit3A_32 : i32 to vector<64x64xi32>
    %select_n3A_34 = arith.select %eq3A_31, %iota3A, %broadcast_in_dim3A_33 : vector<64x64xi1>, vector<64x64xi32>
    %reduce_min3A_35 = arith.constant dense<2147483647> : vector<64xi32>
    %reduce_min3A_36 = vector.multi_reduction <minsi>, %select_n3A_34, %reduce_min3A_35 [0] : vector<64x64xi32> to vector<64xi32>
    %broadcast_in_dim3A_37 = vector.shape_cast %reduce_min3A_36 : vector<64xi32> to vector<1x64xi32>
    %eq3A_38 = vector.broadcast %broadcast_in_dim3A_37 : vector<1x64xi32> to vector<64x64xi32>
    %eq3A_39 = arith.cmpi eq, %iota3A, %eq3A_38 : vector<64x64xi32>
    %or3A = arith.ori %eq3A_23, %eq3A_39 : vector<64x64xi1>
    %jit3A_40 = arith.constant 0.000000e+00 : f32
    %broadcast_in_dim3A_41 = vector.broadcast %jit3A_40 : f32 to vector<64x64xf32>
    %select_n3A_42 = arith.select %or3A, %div3A_14, %broadcast_in_dim3A_41 : vector<64x64xi1>, vector<64x64xf32>
    %swap3A = arith.constant 0 : index
    %swap3A_43 = arith.constant 0 : index
    %swap3A_44 = vector.load %arg4[%swap3A, %swap3A_43] : memref<64x64xf32, #tpu.memory_space<vmem>>, vector<64x64xf32>
    tpu.vector_store %arg4[%swap3A, %swap3A_43], %select_n3A_42 {strides = array<i32>} : memref<64x64xf32, #tpu.memory_space<vmem>>, vector<64x64xf32>,
    %convert_element_type3A = arith.extui %or3A : vector<64x64xi1> to vector<64x64xi32>
    %reduce_max3A_45 = arith.constant dense<-2147483648> : vector<64xi32>
    %reduce_max3A_46 = vector.multi_reduction <maxsi>, %convert_element_type3A, %reduce_max3A_45 [1] : vector<64x64xi32> to vector<64xi32>
    %broadcast_in_dim3A_47 = vector.shape_cast %reduce_max3A_46 : vector<64xi32> to vector<64x1xi32>
    %swap3A_48 = arith.constant 0 : index
    %swap3A_49 = arith.constant 0 : index
    %swap3A_50 = vector.load %arg5[%swap3A_48, %swap3A_49] : memref<64x1xi32, #tpu.memory_space<vmem>>, vector<64x1xi32>
    tpu.vector_store %arg5[%swap3A_48, %swap3A_49], %broadcast_in_dim3A_47 {strides = array<i32>} : memref<64x1xi32, #tpu.memory_space<vmem>>, vector<64x1xi32>,
    %get3A_51 = arith.constant 0 : index
    %get3A_52 = arith.constant 0 : index
    %get3A_53 = vector.load %arg3[%get3A_51, %get3A_52] : memref<64x768xf32, #tpu.memory_space<vmem>>, vector<64x768xf32>
    %dot_general3A_54 = arith.constant dense<0.000000e+00> : vector<64x768xf32>
    %dot_general3A_55 = tpu.matmul %select_n3A_42, %get3A_53, %dot_general3A_54 {dimension_numbers = #tpu.dot_dimension_numbers<[0], [0], [1], [1], [0, 1, 1, 1], [], []>, transpose_lhs_hint = false} : vector<64x64xf32>, vector<64x768xf32>, vector<64x768xf32> -> vector<64x768xf32>
    %swap3A_56 = arith.constant 0 : index
    %swap3A_57 = arith.constant 0 : index
    %swap3A_58 = vector.load %arg6[%swap3A_56, %swap3A_57] : memref<64x768xf32, #tpu.memory_space<vmem>>, vector<64x768xf32>
    tpu.vector_store %arg6[%swap3A_56, %swap3A_57], %dot_general3A_55 {strides = array<i32>} : memref<64x768xf32, #tpu.memory_space<vmem>>, vector<64x768xf32>,
    return
  }
}

module attributes {stable_mosaic.version = 14 : i64} {
  func.func @_moe_body(%arg0: memref<64xi32, #tpu.memory_space<smem>>, %arg1: memref<16xi32, #tpu.memory_space<smem>>, %arg2: memref<64x768xf32, #tpu.memory_space<vmem>>, %arg3: memref<64x64xf32, #tpu.memory_space<vmem>>, %arg4: memref<64x768xf32, #tpu.memory_space<vmem>>, %arg5: memref<64x768x768xf32, #tpu.memory_space<hbm>>, %arg6: memref<64x768xf32, #tpu.memory_space<vmem>>, %arg7: memref<4x768x768xf32, #tpu.memory_space<vmem>>, %arg8: memref<4x!tpu.dma_semaphore, #tpu.memory_space<semaphore_mem>>) attributes {dimension_semantics = [], scalar_prefetch = 0 : i64, scratch_operands = 2 : i64, tpu.core_type = #tpu.core_type<tc>} {
    %get3A = arith.constant 0 : index
    %get3A_0 = memref.load %arg1[%get3A] : memref<16xi32, #tpu.memory_space<smem>>
    %get3A_1 = arith.constant 0 : index
    %get3A_2 = arith.constant 0 : index
    %get3A_3 = vector.load %arg4[%get3A_1, %get3A_2] : memref<64x768xf32, #tpu.memory_space<vmem>>, vector<64x768xf32>
    %swap3A = arith.constant 0 : index
    %swap3A_4 = arith.constant 0 : index
    %swap3A_5 = vector.load %arg6[%swap3A, %swap3A_4] : memref<64x768xf32, #tpu.memory_space<vmem>>, vector<64x768xf32>
    tpu.vector_store %arg6[%swap3A, %swap3A_4], %get3A_3 {strides = array<i32>} : memref<64x768xf32, #tpu.memory_space<vmem>>, vector<64x768xf32>,
    %gt3A = arith.constant 0 : i32
    %gt3A_6 = arith.cmpi sgt, %get3A_0, %gt3A : i32
    %convert_element_type3A = arith.extui %gt3A_6 : i1 to i32
    %cond3A = arith.constant 0 : i32
    %cond3A_7 = arith.cmpi ne, %convert_element_type3A, %cond3A : i32
    scf.if %cond3A_7 {
      %get3A_53 = arith.constant 0 : index
      %get3A_54 = memref.load %arg0[%get3A_53] : memref<64xi32, #tpu.memory_space<smem>>
      %dma_start3A = arith.constant 0 : i32
      %dma_start3A_55 = tpu.memref_slice %arg8[%dma_start3A] : memref<4x!tpu.dma_semaphore, #tpu.memory_space<semaphore_mem>> -> memref<1x!tpu.dma_semaphore, #tpu.memory_space<semaphore_mem>>
      %dma_start3A_56 = tpu.memref_squeeze %dma_start3A_55 : memref<1x!tpu.dma_semaphore, #tpu.memory_space<semaphore_mem>> -> memref<!tpu.dma_semaphore, #tpu.memory_space<semaphore_mem>>
      %dma_start3A_57 = arith.constant 0 : i32
      %dma_start3A_58 = arith.constant 0 : i32
      %dma_start3A_59 = arith.constant 0 : i32
      %dma_start3A_60 = tpu.memref_slice %arg7[%dma_start3A_57, %dma_start3A_58, %dma_start3A_59] : memref<4x768x768xf32, #tpu.memory_space<vmem>> -> memref<1x768x768xf32, #tpu.memory_space<vmem>>
      %dma_start3A_61 = arith.constant 0 : i32
      %dma_start3A_62 = arith.constant 0 : i32
      %dma_start3A_63 = tpu.memref_slice %arg5[%get3A_54, %dma_start3A_61, %dma_start3A_62] : memref<64x768x768xf32, #tpu.memory_space<hbm>> -> memref<1x768x768xf32, #tpu.memory_space<hbm>>
      tpu.enqueue_dma source(%dma_start3A_63 : memref<1x768x768xf32, #tpu.memory_space<hbm>>) target(%dma_start3A_60 : memref<1x768x768xf32, #tpu.memory_space<vmem>>) target_semaphore(%dma_start3A_56 : memref<!tpu.dma_semaphore, #tpu.memory_space<semaphore_mem>>)
    } else {
    }
    %gt3A_8 = arith.constant 1 : i32
    %gt3A_9 = arith.cmpi sgt, %get3A_0, %gt3A_8 : i32
    %convert_element_type3A_10 = arith.extui %gt3A_9 : i1 to i32
    %cond3A_11 = arith.constant 0 : i32
    %cond3A_12 = arith.cmpi ne, %convert_element_type3A_10, %cond3A_11 : i32
    scf.if %cond3A_12 {
      %get3A_53 = arith.constant 1 : index
      %get3A_54 = memref.load %arg0[%get3A_53] : memref<64xi32, #tpu.memory_space<smem>>
      %dma_start3A = arith.constant 1 : i32
      %dma_start3A_55 = tpu.memref_slice %arg8[%dma_start3A] : memref<4x!tpu.dma_semaphore, #tpu.memory_space<semaphore_mem>> -> memref<1x!tpu.dma_semaphore, #tpu.memory_space<semaphore_mem>>
      %dma_start3A_56 = tpu.memref_squeeze %dma_start3A_55 : memref<1x!tpu.dma_semaphore, #tpu.memory_space<semaphore_mem>> -> memref<!tpu.dma_semaphore, #tpu.memory_space<semaphore_mem>>
      %dma_start3A_57 = arith.constant 1 : i32
      %dma_start3A_58 = arith.constant 0 : i32
      %dma_start3A_59 = arith.constant 0 : i32
      %dma_start3A_60 = tpu.memref_slice %arg7[%dma_start3A_57, %dma_start3A_58, %dma_start3A_59] : memref<4x768x768xf32, #tpu.memory_space<vmem>> -> memref<1x768x768xf32, #tpu.memory_space<vmem>>
      %dma_start3A_61 = arith.constant 0 : i32
      %dma_start3A_62 = arith.constant 0 : i32
      %dma_start3A_63 = tpu.memref_slice %arg5[%get3A_54, %dma_start3A_61, %dma_start3A_62] : memref<64x768x768xf32, #tpu.memory_space<hbm>> -> memref<1x768x768xf32, #tpu.memory_space<hbm>>
      tpu.enqueue_dma source(%dma_start3A_63 : memref<1x768x768xf32, #tpu.memory_space<hbm>>) target(%dma_start3A_60 : memref<1x768x768xf32, #tpu.memory_space<vmem>>) target_semaphore(%dma_start3A_56 : memref<!tpu.dma_semaphore, #tpu.memory_space<semaphore_mem>>)
    } else {
    }
    %gt3A_13 = arith.constant 2 : i32
    %gt3A_14 = arith.cmpi sgt, %get3A_0, %gt3A_13 : i32
    %convert_element_type3A_15 = arith.extui %gt3A_14 : i1 to i32
    %cond3A_16 = arith.constant 0 : i32
    %cond3A_17 = arith.cmpi ne, %convert_element_type3A_15, %cond3A_16 : i32
    scf.if %cond3A_17 {
      %get3A_53 = arith.constant 2 : index
      %get3A_54 = memref.load %arg0[%get3A_53] : memref<64xi32, #tpu.memory_space<smem>>
      %dma_start3A = arith.constant 2 : i32
      %dma_start3A_55 = tpu.memref_slice %arg8[%dma_start3A] : memref<4x!tpu.dma_semaphore, #tpu.memory_space<semaphore_mem>> -> memref<1x!tpu.dma_semaphore, #tpu.memory_space<semaphore_mem>>
      %dma_start3A_56 = tpu.memref_squeeze %dma_start3A_55 : memref<1x!tpu.dma_semaphore, #tpu.memory_space<semaphore_mem>> -> memref<!tpu.dma_semaphore, #tpu.memory_space<semaphore_mem>>
      %dma_start3A_57 = arith.constant 2 : i32
      %dma_start3A_58 = arith.constant 0 : i32
      %dma_start3A_59 = arith.constant 0 : i32
      %dma_start3A_60 = tpu.memref_slice %arg7[%dma_start3A_57, %dma_start3A_58, %dma_start3A_59] : memref<4x768x768xf32, #tpu.memory_space<vmem>> -> memref<1x768x768xf32, #tpu.memory_space<vmem>>
      %dma_start3A_61 = arith.constant 0 : i32
      %dma_start3A_62 = arith.constant 0 : i32
      %dma_start3A_63 = tpu.memref_slice %arg5[%get3A_54, %dma_start3A_61, %dma_start3A_62] : memref<64x768x768xf32, #tpu.memory_space<hbm>> -> memref<1x768x768xf32, #tpu.memory_space<hbm>>
      tpu.enqueue_dma source(%dma_start3A_63 : memref<1x768x768xf32, #tpu.memory_space<hbm>>) target(%dma_start3A_60 : memref<1x768x768xf32, #tpu.memory_space<vmem>>) target_semaphore(%dma_start3A_56 : memref<!tpu.dma_semaphore, #tpu.memory_space<semaphore_mem>>)
    } else {
    }
    %gt3A_18 = arith.constant 3 : i32
    %gt3A_19 = arith.cmpi sgt, %get3A_0, %gt3A_18 : i32
    %convert_element_type3A_20 = arith.extui %gt3A_19 : i1 to i32
    %cond3A_21 = arith.constant 0 : i32
    %cond3A_22 = arith.cmpi ne, %convert_element_type3A_20, %cond3A_21 : i32
    scf.if %cond3A_22 {
      %get3A_53 = arith.constant 3 : index
      %get3A_54 = memref.load %arg0[%get3A_53] : memref<64xi32, #tpu.memory_space<smem>>
      %dma_start3A = arith.constant 3 : i32
      %dma_start3A_55 = tpu.memref_slice %arg8[%dma_start3A] : memref<4x!tpu.dma_semaphore, #tpu.memory_space<semaphore_mem>> -> memref<1x!tpu.dma_semaphore, #tpu.memory_space<semaphore_mem>>
      %dma_start3A_56 = tpu.memref_squeeze %dma_start3A_55 : memref<1x!tpu.dma_semaphore, #tpu.memory_space<semaphore_mem>> -> memref<!tpu.dma_semaphore, #tpu.memory_space<semaphore_mem>>
      %dma_start3A_57 = arith.constant 3 : i32
      %dma_start3A_58 = arith.constant 0 : i32
      %dma_start3A_59 = arith.constant 0 : i32
      %dma_start3A_60 = tpu.memref_slice %arg7[%dma_start3A_57, %dma_start3A_58, %dma_start3A_59] : memref<4x768x768xf32, #tpu.memory_space<vmem>> -> memref<1x768x768xf32, #tpu.memory_space<vmem>>
      %dma_start3A_61 = arith.constant 0 : i32
      %dma_start3A_62 = arith.constant 0 : i32
      %dma_start3A_63 = tpu.memref_slice %arg5[%get3A_54, %dma_start3A_61, %dma_start3A_62] : memref<64x768x768xf32, #tpu.memory_space<hbm>> -> memref<1x768x768xf32, #tpu.memory_space<hbm>>
      tpu.enqueue_dma source(%dma_start3A_63 : memref<1x768x768xf32, #tpu.memory_space<hbm>>) target(%dma_start3A_60 : memref<1x768x768xf32, #tpu.memory_space<vmem>>) target_semaphore(%dma_start3A_56 : memref<!tpu.dma_semaphore, #tpu.memory_space<semaphore_mem>>)
    } else {
    }
    %iota3A = tpu.iota {dimensions = array<i32: 0>} : vector<64x64xi32>
    %iota3A_23 = tpu.iota {dimensions = array<i32: 1>} : vector<64x64xi32>
    %iota3A_24 = tpu.iota {dimensions = array<i32: 0>} : vector<64x64xi32>
    %add3A = arith.constant 4 : i32
    %add3A_25 = arith.addi %get3A_0, %add3A : i32
    %sub3A = arith.constant 1 : i32
    %sub3A_26 = arith.subi %add3A_25, %sub3A : i32
    %jit3A = arith.constant 4 : i32
    %div3A = arith.divsi %sub3A_26, %jit3A : i32
    %sign3A = arith.constant 0 : i32
    %sign3A_27 = arith.cmpi sgt, %sub3A_26, %sign3A : i32
    %sign3A_28 = arith.extui %sign3A_27 : i1 to i32
    %sign3A_29 = arith.constant 0 : i32
    %sign3A_30 = arith.cmpi slt, %sub3A_26, %sign3A_29 : i32
    %sign3A_31 = arith.extui %sign3A_30 : i1 to i32
    %sign3A_32 = arith.subi %sign3A_28, %sign3A_31 : i32
    %sign3A_33 = arith.constant 0 : i32
    %sign3A_34 = arith.cmpi sgt, %jit3A, %sign3A_33 : i32
    %sign3A_35 = arith.extui %sign3A_34 : i1 to i32
    %sign3A_36 = arith.constant 0 : i32
    %sign3A_37 = arith.cmpi slt, %jit3A, %sign3A_36 : i32
    %sign3A_38 = arith.extui %sign3A_37 : i1 to i32
    %sign3A_39 = arith.subi %sign3A_35, %sign3A_38 : i32
    %ne3A = arith.cmpi ne, %sign3A_32, %sign3A_39 : i32
    %rem3A = arith.remsi %sub3A_26, %jit3A : i32
    %ne3A_40 = arith.constant 0 : i32
    %ne3A_41 = arith.cmpi ne, %rem3A, %ne3A_40 : i32
    %and3A = arith.andi %ne3A, %ne3A_41 : i1
    %sub3A_42 = arith.constant 1 : i32
    %sub3A_43 = arith.subi %div3A, %sub3A_42 : i32
    %select_n3A = arith.select %and3A, %sub3A_43, %div3A : i32
    %while3A = arith.constant 0 : i32
    %while3A_44 = arith.constant 0 : i32
    %while3A_45 = arith.subi %select_n3A, %while3A_44 : i32
    %while3A_46 = arith.addi %while3A_44, %while3A_45 : i32
    %while3A_47 = arith.constant 1 : i32
    %while3A_48 = arith.divsi %while3A_45, %while3A_47 : i32
    %while3A_49 = arith.muli %while3A_48, %while3A_47 : i32
    %while3A_50 = arith.addi %while3A_44, %while3A_49 : i32
    %while3A_51 = arith.constant 1 : i32
    scf.for %while3A_53 = %while3A_44 to %while3A_50 step %while3A_51  : i32 {
      %mul3A = arith.constant 4 : i32
      %mul3A_54 = arith.muli %while3A_53, %mul3A : i32
      %add3A_55 = arith.constant 0 : i32
      %add3A_56 = arith.addi %mul3A_54, %add3A_55 : i32
      %lt3A = arith.cmpi slt, %add3A_56, %get3A_0 : i32
      %convert_element_type3A_57 = arith.extui %lt3A : i1 to i32
      %cond3A_58 = arith.constant 0 : i32
      %cond3A_59 = arith.cmpi ne, %convert_element_type3A_57, %cond3A_58 : i32
      scf.if %cond3A_59 {
        %get3A_84 = arith.index_cast %add3A_56 : i32 to index
        %get3A_85 = memref.load %arg0[%get3A_84] : memref<64xi32, #tpu.memory_space<smem>>
        %dma_wait3A = arith.constant 0 : i32
        %dma_wait3A_86 = tpu.memref_slice %arg8[%dma_wait3A] : memref<4x!tpu.dma_semaphore, #tpu.memory_space<semaphore_mem>> -> memref<1x!tpu.dma_semaphore, #tpu.memory_space<semaphore_mem>>
        %dma_wait3A_87 = tpu.memref_squeeze %dma_wait3A_86 : memref<1x!tpu.dma_semaphore, #tpu.memory_space<semaphore_mem>> -> memref<!tpu.dma_semaphore, #tpu.memory_space<semaphore_mem>>
        %dma_wait3A_88 = arith.constant 0 : i32
        %dma_wait3A_89 = arith.constant 0 : i32
        %dma_wait3A_90 = arith.constant 0 : i32
        %dma_wait3A_91 = tpu.memref_slice %arg7[%dma_wait3A_88, %dma_wait3A_89, %dma_wait3A_90] : memref<4x768x768xf32, #tpu.memory_space<vmem>> -> memref<1x768x768xf32, #tpu.memory_space<vmem>>
        %dma_wait3A_92 = arith.constant 0 : i32
        %dma_wait3A_93 = arith.constant 0 : i32
        %dma_wait3A_94 = tpu.memref_slice %arg5[%get3A_85, %dma_wait3A_92, %dma_wait3A_93] : memref<64x768x768xf32, #tpu.memory_space<hbm>> -> memref<1x768x768xf32, #tpu.memory_space<hbm>>
        tpu.wait_dma2 semaphore(%dma_wait3A_87 : memref<!tpu.dma_semaphore, #tpu.memory_space<semaphore_mem>>) src(%dma_wait3A_94 : memref<1x768x768xf32, #tpu.memory_space<hbm>>) dst(%dma_wait3A_91 : memref<1x768x768xf32, #tpu.memory_space<vmem>>)
        %get3A_95 = arith.index_cast %add3A_56 : i32 to index
        %get3A_96 = memref.load %arg0[%get3A_95] : memref<64xi32, #tpu.memory_space<smem>>
        %get3A_97 = arith.constant 0 : index
        %get3A_98 = arith.constant 0 : index
        %get3A_99 = vector.load %arg2[%get3A_97, %get3A_98] : memref<64x768xf32, #tpu.memory_space<vmem>>, vector<64x768xf32>
        %get3A_100 = arith.constant 0 : index
        %get3A_101 = arith.constant 0 : index
        %get3A_102 = arith.constant 0 : index
        %get3A_103 = vector.load %arg7[%get3A_100, %get3A_101, %get3A_102] : memref<4x768x768xf32, #tpu.memory_space<vmem>>, vector<1x768x768xf32>
        %get3A_104 = vector.shape_cast %get3A_103 : vector<1x768x768xf32> to vector<768x768xf32>
        %dot_general3A = arith.constant dense<0.000000e+00> : vector<64x768xf32>
        %dot_general3A_105 = tpu.matmul %get3A_99, %get3A_104, %dot_general3A {dimension_numbers = #tpu.dot_dimension_numbers<[1], [0], [0], [1], [0, 0, 1, 1], [], []>, transpose_lhs_hint = false} : vector<64x768xf32>, vector<768x768xf32>, vector<64x768xf32> -> vector<64x768xf32>
        %eq3A = vector.broadcast %get3A_96 : i32 to vector<64x64xi32>
        %eq3A_106 = arith.cmpi eq, %iota3A_24, %eq3A : vector<64x64xi32>
        %get3A_107 = arith.constant 0 : index
        %get3A_108 = arith.constant 0 : index
        %get3A_109 = vector.load %arg3[%get3A_107, %get3A_108] : memref<64x64xf32, #tpu.memory_space<vmem>>, vector<64x64xf32>
        %jit3A_110 = arith.constant 0.000000e+00 : f32
        %broadcast_in_dim3A = vector.broadcast %jit3A_110 : f32 to vector<64x64xf32>
        %select_n3A_111 = arith.select %eq3A_106, %get3A_109, %broadcast_in_dim3A : vector<64x64xi1>, vector<64x64xf32>
        %reduce_sum3A = arith.constant dense<0.000000e+00> : vector<64xf32>
        %reduce_sum3A_112 = vector.multi_reduction <add>, %select_n3A_111, %reduce_sum3A [0] : vector<64x64xf32> to vector<64xf32>
        %broadcast_in_dim3A_113 = vector.shape_cast %reduce_sum3A_112 : vector<64xf32> to vector<1x64xf32>
        %eq3A_114 = arith.cmpi eq, %iota3A, %iota3A_23 : vector<64x64xi32>
        %broadcast_in_dim3A_115 = vector.shape_cast %broadcast_in_dim3A_113 : vector<1x64xf32> to vector<1x64xf32>
        %broadcast_in_dim3A_116 = vector.broadcast %broadcast_in_dim3A_115 : vector<1x64xf32> to vector<64x64xf32>
        %jit3A_117 = arith.constant 0.000000e+00 : f32
        %broadcast_in_dim3A_118 = vector.broadcast %jit3A_117 : f32 to vector<64x64xf32>
        %select_n3A_119 = arith.select %eq3A_114, %broadcast_in_dim3A_116, %broadcast_in_dim3A_118 : vector<64x64xi1>, vector<64x64xf32>
        %get3A_120 = arith.constant 0 : index
        %get3A_121 = arith.constant 0 : index
        %get3A_122 = vector.load %arg6[%get3A_120, %get3A_121] : memref<64x768xf32, #tpu.memory_space<vmem>>, vector<64x768xf32>
        %dot_general3A_123 = arith.constant dense<0.000000e+00> : vector<64x768xf32>
        %dot_general3A_124 = tpu.matmul %select_n3A_119, %dot_general3A_105, %dot_general3A_123 {dimension_numbers = #tpu.dot_dimension_numbers<[1], [0], [0], [1], [0, 0, 1, 1], [], []>, transpose_lhs_hint = false} : vector<64x64xf32>, vector<64x768xf32>, vector<64x768xf32> -> vector<64x768xf32>
        %add3A_125 = arith.addf %get3A_122, %dot_general3A_124 : vector<64x768xf32>
        %swap3A_126 = arith.constant 0 : index
        %swap3A_127 = arith.constant 0 : index
        %swap3A_128 = vector.load %arg6[%swap3A_126, %swap3A_127] : memref<64x768xf32, #tpu.memory_space<vmem>>, vector<64x768xf32>
        tpu.vector_store %arg6[%swap3A_126, %swap3A_127], %add3A_125 {strides = array<i32>} : memref<64x768xf32, #tpu.memory_space<vmem>>, vector<64x768xf32>,
        %add3A_129 = arith.constant 4 : i32
        %add3A_130 = arith.addi %add3A_56, %add3A_129 : i32
        %lt3A_131 = arith.cmpi slt, %add3A_130, %get3A_0 : i32
        %convert_element_type3A_132 = arith.extui %lt3A_131 : i1 to i32
        %cond3A_133 = arith.constant 0 : i32
        %cond3A_134 = arith.cmpi ne, %convert_element_type3A_132, %cond3A_133 : i32
        scf.if %cond3A_134 {
          %add3A_135 = arith.constant 4 : i32
          %add3A_136 = arith.addi %add3A_56, %add3A_135 : i32
          %get3A_137 = arith.index_cast %add3A_136 : i32 to index
          %get3A_138 = memref.load %arg0[%get3A_137] : memref<64xi32, #tpu.memory_space<smem>>
          %dma_start3A = arith.constant 0 : i32
          %dma_start3A_139 = tpu.memref_slice %arg8[%dma_start3A] : memref<4x!tpu.dma_semaphore, #tpu.memory_space<semaphore_mem>> -> memref<1x!tpu.dma_semaphore, #tpu.memory_space<semaphore_mem>>
          %dma_start3A_140 = tpu.memref_squeeze %dma_start3A_139 : memref<1x!tpu.dma_semaphore, #tpu.memory_space<semaphore_mem>> -> memref<!tpu.dma_semaphore, #tpu.memory_space<semaphore_mem>>
          %dma_start3A_141 = arith.constant 0 : i32
          %dma_start3A_142 = arith.constant 0 : i32
          %dma_start3A_143 = arith.constant 0 : i32
          %dma_start3A_144 = tpu.memref_slice %arg7[%dma_start3A_141, %dma_start3A_142, %dma_start3A_143] : memref<4x768x768xf32, #tpu.memory_space<vmem>> -> memref<1x768x768xf32, #tpu.memory_space<vmem>>
          %dma_start3A_145 = arith.constant 0 : i32
          %dma_start3A_146 = arith.constant 0 : i32
          %dma_start3A_147 = tpu.memref_slice %arg5[%get3A_138, %dma_start3A_145, %dma_start3A_146] : memref<64x768x768xf32, #tpu.memory_space<hbm>> -> memref<1x768x768xf32, #tpu.memory_space<hbm>>
          tpu.enqueue_dma source(%dma_start3A_147 : memref<1x768x768xf32, #tpu.memory_space<hbm>>) target(%dma_start3A_144 : memref<1x768x768xf32, #tpu.memory_space<vmem>>) target_semaphore(%dma_start3A_140 : memref<!tpu.dma_semaphore, #tpu.memory_space<semaphore_mem>>)
        } else {
        }
      } else {
      }
      %mul3A_60 = arith.constant 4 : i32
      %mul3A_61 = arith.muli %while3A_53, %mul3A_60 : i32
      %add3A_62 = arith.constant 1 : i32
      %add3A_63 = arith.addi %mul3A_61, %add3A_62 : i32
      %lt3A_64 = arith.cmpi slt, %add3A_63, %get3A_0 : i32
      %convert_element_type3A_65 = arith.extui %lt3A_64 : i1 to i32
      %cond3A_66 = arith.constant 0 : i32
      %cond3A_67 = arith.cmpi ne, %convert_element_type3A_65, %cond3A_66 : i32
      scf.if %cond3A_67 {
        %get3A_84 = arith.index_cast %add3A_63 : i32 to index
        %get3A_85 = memref.load %arg0[%get3A_84] : memref<64xi32, #tpu.memory_space<smem>>
        %dma_wait3A = arith.constant 1 : i32
        %dma_wait3A_86 = tpu.memref_slice %arg8[%dma_wait3A] : memref<4x!tpu.dma_semaphore, #tpu.memory_space<semaphore_mem>> -> memref<1x!tpu.dma_semaphore, #tpu.memory_space<semaphore_mem>>
        %dma_wait3A_87 = tpu.memref_squeeze %dma_wait3A_86 : memref<1x!tpu.dma_semaphore, #tpu.memory_space<semaphore_mem>> -> memref<!tpu.dma_semaphore, #tpu.memory_space<semaphore_mem>>
        %dma_wait3A_88 = arith.constant 1 : i32
        %dma_wait3A_89 = arith.constant 0 : i32
        %dma_wait3A_90 = arith.constant 0 : i32
        %dma_wait3A_91 = tpu.memref_slice %arg7[%dma_wait3A_88, %dma_wait3A_89, %dma_wait3A_90] : memref<4x768x768xf32, #tpu.memory_space<vmem>> -> memref<1x768x768xf32, #tpu.memory_space<vmem>>
        %dma_wait3A_92 = arith.constant 0 : i32
        %dma_wait3A_93 = arith.constant 0 : i32
        %dma_wait3A_94 = tpu.memref_slice %arg5[%get3A_85, %dma_wait3A_92, %dma_wait3A_93] : memref<64x768x768xf32, #tpu.memory_space<hbm>> -> memref<1x768x768xf32, #tpu.memory_space<hbm>>
        tpu.wait_dma2 semaphore(%dma_wait3A_87 : memref<!tpu.dma_semaphore, #tpu.memory_space<semaphore_mem>>) src(%dma_wait3A_94 : memref<1x768x768xf32, #tpu.memory_space<hbm>>) dst(%dma_wait3A_91 : memref<1x768x768xf32, #tpu.memory_space<vmem>>)
        %get3A_95 = arith.index_cast %add3A_63 : i32 to index
        %get3A_96 = memref.load %arg0[%get3A_95] : memref<64xi32, #tpu.memory_space<smem>>
        %get3A_97 = arith.constant 0 : index
        %get3A_98 = arith.constant 0 : index
        %get3A_99 = vector.load %arg2[%get3A_97, %get3A_98] : memref<64x768xf32, #tpu.memory_space<vmem>>, vector<64x768xf32>
        %get3A_100 = arith.constant 1 : index
        %get3A_101 = arith.constant 0 : index
        %get3A_102 = arith.constant 0 : index
        %get3A_103 = vector.load %arg7[%get3A_100, %get3A_101, %get3A_102] : memref<4x768x768xf32, #tpu.memory_space<vmem>>, vector<1x768x768xf32>
        %get3A_104 = vector.shape_cast %get3A_103 : vector<1x768x768xf32> to vector<768x768xf32>
        %dot_general3A = arith.constant dense<0.000000e+00> : vector<64x768xf32>
        %dot_general3A_105 = tpu.matmul %get3A_99, %get3A_104, %dot_general3A {dimension_numbers = #tpu.dot_dimension_numbers<[1], [0], [0], [1], [0, 0, 1, 1], [], []>, transpose_lhs_hint = false} : vector<64x768xf32>, vector<768x768xf32>, vector<64x768xf32> -> vector<64x768xf32>
        %eq3A = vector.broadcast %get3A_96 : i32 to vector<64x64xi32>
        %eq3A_106 = arith.cmpi eq, %iota3A_24, %eq3A : vector<64x64xi32>
        %get3A_107 = arith.constant 0 : index
        %get3A_108 = arith.constant 0 : index
        %get3A_109 = vector.load %arg3[%get3A_107, %get3A_108] : memref<64x64xf32, #tpu.memory_space<vmem>>, vector<64x64xf32>
        %jit3A_110 = arith.constant 0.000000e+00 : f32
        %broadcast_in_dim3A = vector.broadcast %jit3A_110 : f32 to vector<64x64xf32>
        %select_n3A_111 = arith.select %eq3A_106, %get3A_109, %broadcast_in_dim3A : vector<64x64xi1>, vector<64x64xf32>
        %reduce_sum3A = arith.constant dense<0.000000e+00> : vector<64xf32>
        %reduce_sum3A_112 = vector.multi_reduction <add>, %select_n3A_111, %reduce_sum3A [0] : vector<64x64xf32> to vector<64xf32>
        %broadcast_in_dim3A_113 = vector.shape_cast %reduce_sum3A_112 : vector<64xf32> to vector<1x64xf32>
        %eq3A_114 = arith.cmpi eq, %iota3A, %iota3A_23 : vector<64x64xi32>
        %broadcast_in_dim3A_115 = vector.shape_cast %broadcast_in_dim3A_113 : vector<1x64xf32> to vector<1x64xf32>
        %broadcast_in_dim3A_116 = vector.broadcast %broadcast_in_dim3A_115 : vector<1x64xf32> to vector<64x64xf32>
        %jit3A_117 = arith.constant 0.000000e+00 : f32
        %broadcast_in_dim3A_118 = vector.broadcast %jit3A_117 : f32 to vector<64x64xf32>
        %select_n3A_119 = arith.select %eq3A_114, %broadcast_in_dim3A_116, %broadcast_in_dim3A_118 : vector<64x64xi1>, vector<64x64xf32>
        %get3A_120 = arith.constant 0 : index
        %get3A_121 = arith.constant 0 : index
        %get3A_122 = vector.load %arg6[%get3A_120, %get3A_121] : memref<64x768xf32, #tpu.memory_space<vmem>>, vector<64x768xf32>
        %dot_general3A_123 = arith.constant dense<0.000000e+00> : vector<64x768xf32>
        %dot_general3A_124 = tpu.matmul %select_n3A_119, %dot_general3A_105, %dot_general3A_123 {dimension_numbers = #tpu.dot_dimension_numbers<[1], [0], [0], [1], [0, 0, 1, 1], [], []>, transpose_lhs_hint = false} : vector<64x64xf32>, vector<64x768xf32>, vector<64x768xf32> -> vector<64x768xf32>
        %add3A_125 = arith.addf %get3A_122, %dot_general3A_124 : vector<64x768xf32>
        %swap3A_126 = arith.constant 0 : index
        %swap3A_127 = arith.constant 0 : index
        %swap3A_128 = vector.load %arg6[%swap3A_126, %swap3A_127] : memref<64x768xf32, #tpu.memory_space<vmem>>, vector<64x768xf32>
        tpu.vector_store %arg6[%swap3A_126, %swap3A_127], %add3A_125 {strides = array<i32>} : memref<64x768xf32, #tpu.memory_space<vmem>>, vector<64x768xf32>,
        %add3A_129 = arith.constant 4 : i32
        %add3A_130 = arith.addi %add3A_63, %add3A_129 : i32
        %lt3A_131 = arith.cmpi slt, %add3A_130, %get3A_0 : i32
        %convert_element_type3A_132 = arith.extui %lt3A_131 : i1 to i32
        %cond3A_133 = arith.constant 0 : i32
        %cond3A_134 = arith.cmpi ne, %convert_element_type3A_132, %cond3A_133 : i32
        scf.if %cond3A_134 {
          %add3A_135 = arith.constant 4 : i32
          %add3A_136 = arith.addi %add3A_63, %add3A_135 : i32
          %get3A_137 = arith.index_cast %add3A_136 : i32 to index
          %get3A_138 = memref.load %arg0[%get3A_137] : memref<64xi32, #tpu.memory_space<smem>>
          %dma_start3A = arith.constant 1 : i32
          %dma_start3A_139 = tpu.memref_slice %arg8[%dma_start3A] : memref<4x!tpu.dma_semaphore, #tpu.memory_space<semaphore_mem>> -> memref<1x!tpu.dma_semaphore, #tpu.memory_space<semaphore_mem>>
          %dma_start3A_140 = tpu.memref_squeeze %dma_start3A_139 : memref<1x!tpu.dma_semaphore, #tpu.memory_space<semaphore_mem>> -> memref<!tpu.dma_semaphore, #tpu.memory_space<semaphore_mem>>
          %dma_start3A_141 = arith.constant 1 : i32
          %dma_start3A_142 = arith.constant 0 : i32
          %dma_start3A_143 = arith.constant 0 : i32
          %dma_start3A_144 = tpu.memref_slice %arg7[%dma_start3A_141, %dma_start3A_142, %dma_start3A_143] : memref<4x768x768xf32, #tpu.memory_space<vmem>> -> memref<1x768x768xf32, #tpu.memory_space<vmem>>
          %dma_start3A_145 = arith.constant 0 : i32
          %dma_start3A_146 = arith.constant 0 : i32
          %dma_start3A_147 = tpu.memref_slice %arg5[%get3A_138, %dma_start3A_145, %dma_start3A_146] : memref<64x768x768xf32, #tpu.memory_space<hbm>> -> memref<1x768x768xf32, #tpu.memory_space<hbm>>
          tpu.enqueue_dma source(%dma_start3A_147 : memref<1x768x768xf32, #tpu.memory_space<hbm>>) target(%dma_start3A_144 : memref<1x768x768xf32, #tpu.memory_space<vmem>>) target_semaphore(%dma_start3A_140 : memref<!tpu.dma_semaphore, #tpu.memory_space<semaphore_mem>>)
        } else {
        }
      } else {
      }
      %mul3A_68 = arith.constant 4 : i32
      %mul3A_69 = arith.muli %while3A_53, %mul3A_68 : i32
      %add3A_70 = arith.constant 2 : i32
      %add3A_71 = arith.addi %mul3A_69, %add3A_70 : i32
      %lt3A_72 = arith.cmpi slt, %add3A_71, %get3A_0 : i32
      %convert_element_type3A_73 = arith.extui %lt3A_72 : i1 to i32
      %cond3A_74 = arith.constant 0 : i32
      %cond3A_75 = arith.cmpi ne, %convert_element_type3A_73, %cond3A_74 : i32
      scf.if %cond3A_75 {
        %get3A_84 = arith.index_cast %add3A_71 : i32 to index
        %get3A_85 = memref.load %arg0[%get3A_84] : memref<64xi32, #tpu.memory_space<smem>>
        %dma_wait3A = arith.constant 2 : i32
        %dma_wait3A_86 = tpu.memref_slice %arg8[%dma_wait3A] : memref<4x!tpu.dma_semaphore, #tpu.memory_space<semaphore_mem>> -> memref<1x!tpu.dma_semaphore, #tpu.memory_space<semaphore_mem>>
        %dma_wait3A_87 = tpu.memref_squeeze %dma_wait3A_86 : memref<1x!tpu.dma_semaphore, #tpu.memory_space<semaphore_mem>> -> memref<!tpu.dma_semaphore, #tpu.memory_space<semaphore_mem>>
        %dma_wait3A_88 = arith.constant 2 : i32
        %dma_wait3A_89 = arith.constant 0 : i32
        %dma_wait3A_90 = arith.constant 0 : i32
        %dma_wait3A_91 = tpu.memref_slice %arg7[%dma_wait3A_88, %dma_wait3A_89, %dma_wait3A_90] : memref<4x768x768xf32, #tpu.memory_space<vmem>> -> memref<1x768x768xf32, #tpu.memory_space<vmem>>
        %dma_wait3A_92 = arith.constant 0 : i32
        %dma_wait3A_93 = arith.constant 0 : i32
        %dma_wait3A_94 = tpu.memref_slice %arg5[%get3A_85, %dma_wait3A_92, %dma_wait3A_93] : memref<64x768x768xf32, #tpu.memory_space<hbm>> -> memref<1x768x768xf32, #tpu.memory_space<hbm>>
        tpu.wait_dma2 semaphore(%dma_wait3A_87 : memref<!tpu.dma_semaphore, #tpu.memory_space<semaphore_mem>>) src(%dma_wait3A_94 : memref<1x768x768xf32, #tpu.memory_space<hbm>>) dst(%dma_wait3A_91 : memref<1x768x768xf32, #tpu.memory_space<vmem>>)
        %get3A_95 = arith.index_cast %add3A_71 : i32 to index
        %get3A_96 = memref.load %arg0[%get3A_95] : memref<64xi32, #tpu.memory_space<smem>>
        %get3A_97 = arith.constant 0 : index
        %get3A_98 = arith.constant 0 : index
        %get3A_99 = vector.load %arg2[%get3A_97, %get3A_98] : memref<64x768xf32, #tpu.memory_space<vmem>>, vector<64x768xf32>
        %get3A_100 = arith.constant 2 : index
        %get3A_101 = arith.constant 0 : index
        %get3A_102 = arith.constant 0 : index
        %get3A_103 = vector.load %arg7[%get3A_100, %get3A_101, %get3A_102] : memref<4x768x768xf32, #tpu.memory_space<vmem>>, vector<1x768x768xf32>
        %get3A_104 = vector.shape_cast %get3A_103 : vector<1x768x768xf32> to vector<768x768xf32>
        %dot_general3A = arith.constant dense<0.000000e+00> : vector<64x768xf32>
        %dot_general3A_105 = tpu.matmul %get3A_99, %get3A_104, %dot_general3A {dimension_numbers = #tpu.dot_dimension_numbers<[1], [0], [0], [1], [0, 0, 1, 1], [], []>, transpose_lhs_hint = false} : vector<64x768xf32>, vector<768x768xf32>, vector<64x768xf32> -> vector<64x768xf32>
        %eq3A = vector.broadcast %get3A_96 : i32 to vector<64x64xi32>
        %eq3A_106 = arith.cmpi eq, %iota3A_24, %eq3A : vector<64x64xi32>
        %get3A_107 = arith.constant 0 : index
        %get3A_108 = arith.constant 0 : index
        %get3A_109 = vector.load %arg3[%get3A_107, %get3A_108] : memref<64x64xf32, #tpu.memory_space<vmem>>, vector<64x64xf32>
        %jit3A_110 = arith.constant 0.000000e+00 : f32
        %broadcast_in_dim3A = vector.broadcast %jit3A_110 : f32 to vector<64x64xf32>
        %select_n3A_111 = arith.select %eq3A_106, %get3A_109, %broadcast_in_dim3A : vector<64x64xi1>, vector<64x64xf32>
        %reduce_sum3A = arith.constant dense<0.000000e+00> : vector<64xf32>
        %reduce_sum3A_112 = vector.multi_reduction <add>, %select_n3A_111, %reduce_sum3A [0] : vector<64x64xf32> to vector<64xf32>
        %broadcast_in_dim3A_113 = vector.shape_cast %reduce_sum3A_112 : vector<64xf32> to vector<1x64xf32>
        %eq3A_114 = arith.cmpi eq, %iota3A, %iota3A_23 : vector<64x64xi32>
        %broadcast_in_dim3A_115 = vector.shape_cast %broadcast_in_dim3A_113 : vector<1x64xf32> to vector<1x64xf32>
        %broadcast_in_dim3A_116 = vector.broadcast %broadcast_in_dim3A_115 : vector<1x64xf32> to vector<64x64xf32>
        %jit3A_117 = arith.constant 0.000000e+00 : f32
        %broadcast_in_dim3A_118 = vector.broadcast %jit3A_117 : f32 to vector<64x64xf32>
        %select_n3A_119 = arith.select %eq3A_114, %broadcast_in_dim3A_116, %broadcast_in_dim3A_118 : vector<64x64xi1>, vector<64x64xf32>
        %get3A_120 = arith.constant 0 : index
        %get3A_121 = arith.constant 0 : index
        %get3A_122 = vector.load %arg6[%get3A_120, %get3A_121] : memref<64x768xf32, #tpu.memory_space<vmem>>, vector<64x768xf32>
        %dot_general3A_123 = arith.constant dense<0.000000e+00> : vector<64x768xf32>
        %dot_general3A_124 = tpu.matmul %select_n3A_119, %dot_general3A_105, %dot_general3A_123 {dimension_numbers = #tpu.dot_dimension_numbers<[1], [0], [0], [1], [0, 0, 1, 1], [], []>, transpose_lhs_hint = false} : vector<64x64xf32>, vector<64x768xf32>, vector<64x768xf32> -> vector<64x768xf32>
        %add3A_125 = arith.addf %get3A_122, %dot_general3A_124 : vector<64x768xf32>
        %swap3A_126 = arith.constant 0 : index
        %swap3A_127 = arith.constant 0 : index
        %swap3A_128 = vector.load %arg6[%swap3A_126, %swap3A_127] : memref<64x768xf32, #tpu.memory_space<vmem>>, vector<64x768xf32>
        tpu.vector_store %arg6[%swap3A_126, %swap3A_127], %add3A_125 {strides = array<i32>} : memref<64x768xf32, #tpu.memory_space<vmem>>, vector<64x768xf32>,
        %add3A_129 = arith.constant 4 : i32
        %add3A_130 = arith.addi %add3A_71, %add3A_129 : i32
        %lt3A_131 = arith.cmpi slt, %add3A_130, %get3A_0 : i32
        %convert_element_type3A_132 = arith.extui %lt3A_131 : i1 to i32
        %cond3A_133 = arith.constant 0 : i32
        %cond3A_134 = arith.cmpi ne, %convert_element_type3A_132, %cond3A_133 : i32
        scf.if %cond3A_134 {
          %add3A_135 = arith.constant 4 : i32
          %add3A_136 = arith.addi %add3A_71, %add3A_135 : i32
          %get3A_137 = arith.index_cast %add3A_136 : i32 to index
          %get3A_138 = memref.load %arg0[%get3A_137] : memref<64xi32, #tpu.memory_space<smem>>
          %dma_start3A = arith.constant 2 : i32
          %dma_start3A_139 = tpu.memref_slice %arg8[%dma_start3A] : memref<4x!tpu.dma_semaphore, #tpu.memory_space<semaphore_mem>> -> memref<1x!tpu.dma_semaphore, #tpu.memory_space<semaphore_mem>>
          %dma_start3A_140 = tpu.memref_squeeze %dma_start3A_139 : memref<1x!tpu.dma_semaphore, #tpu.memory_space<semaphore_mem>> -> memref<!tpu.dma_semaphore, #tpu.memory_space<semaphore_mem>>
          %dma_start3A_141 = arith.constant 2 : i32
          %dma_start3A_142 = arith.constant 0 : i32
          %dma_start3A_143 = arith.constant 0 : i32
          %dma_start3A_144 = tpu.memref_slice %arg7[%dma_start3A_141, %dma_start3A_142, %dma_start3A_143] : memref<4x768x768xf32, #tpu.memory_space<vmem>> -> memref<1x768x768xf32, #tpu.memory_space<vmem>>
          %dma_start3A_145 = arith.constant 0 : i32
          %dma_start3A_146 = arith.constant 0 : i32
          %dma_start3A_147 = tpu.memref_slice %arg5[%get3A_138, %dma_start3A_145, %dma_start3A_146] : memref<64x768x768xf32, #tpu.memory_space<hbm>> -> memref<1x768x768xf32, #tpu.memory_space<hbm>>
          tpu.enqueue_dma source(%dma_start3A_147 : memref<1x768x768xf32, #tpu.memory_space<hbm>>) target(%dma_start3A_144 : memref<1x768x768xf32, #tpu.memory_space<vmem>>) target_semaphore(%dma_start3A_140 : memref<!tpu.dma_semaphore, #tpu.memory_space<semaphore_mem>>)
        } else {
        }
      } else {
      }
      %mul3A_76 = arith.constant 4 : i32
      %mul3A_77 = arith.muli %while3A_53, %mul3A_76 : i32
      %add3A_78 = arith.constant 3 : i32
      %add3A_79 = arith.addi %mul3A_77, %add3A_78 : i32
      %lt3A_80 = arith.cmpi slt, %add3A_79, %get3A_0 : i32
      %convert_element_type3A_81 = arith.extui %lt3A_80 : i1 to i32
      %cond3A_82 = arith.constant 0 : i32
      %cond3A_83 = arith.cmpi ne, %convert_element_type3A_81, %cond3A_82 : i32
      scf.if %cond3A_83 {
        %get3A_84 = arith.index_cast %add3A_79 : i32 to index
        %get3A_85 = memref.load %arg0[%get3A_84] : memref<64xi32, #tpu.memory_space<smem>>
        %dma_wait3A = arith.constant 3 : i32
        %dma_wait3A_86 = tpu.memref_slice %arg8[%dma_wait3A] : memref<4x!tpu.dma_semaphore, #tpu.memory_space<semaphore_mem>> -> memref<1x!tpu.dma_semaphore, #tpu.memory_space<semaphore_mem>>
        %dma_wait3A_87 = tpu.memref_squeeze %dma_wait3A_86 : memref<1x!tpu.dma_semaphore, #tpu.memory_space<semaphore_mem>> -> memref<!tpu.dma_semaphore, #tpu.memory_space<semaphore_mem>>
        %dma_wait3A_88 = arith.constant 3 : i32
        %dma_wait3A_89 = arith.constant 0 : i32
        %dma_wait3A_90 = arith.constant 0 : i32
        %dma_wait3A_91 = tpu.memref_slice %arg7[%dma_wait3A_88, %dma_wait3A_89, %dma_wait3A_90] : memref<4x768x768xf32, #tpu.memory_space<vmem>> -> memref<1x768x768xf32, #tpu.memory_space<vmem>>
        %dma_wait3A_92 = arith.constant 0 : i32
        %dma_wait3A_93 = arith.constant 0 : i32
        %dma_wait3A_94 = tpu.memref_slice %arg5[%get3A_85, %dma_wait3A_92, %dma_wait3A_93] : memref<64x768x768xf32, #tpu.memory_space<hbm>> -> memref<1x768x768xf32, #tpu.memory_space<hbm>>
        tpu.wait_dma2 semaphore(%dma_wait3A_87 : memref<!tpu.dma_semaphore, #tpu.memory_space<semaphore_mem>>) src(%dma_wait3A_94 : memref<1x768x768xf32, #tpu.memory_space<hbm>>) dst(%dma_wait3A_91 : memref<1x768x768xf32, #tpu.memory_space<vmem>>)
        %get3A_95 = arith.index_cast %add3A_79 : i32 to index
        %get3A_96 = memref.load %arg0[%get3A_95] : memref<64xi32, #tpu.memory_space<smem>>
        %get3A_97 = arith.constant 0 : index
        %get3A_98 = arith.constant 0 : index
        %get3A_99 = vector.load %arg2[%get3A_97, %get3A_98] : memref<64x768xf32, #tpu.memory_space<vmem>>, vector<64x768xf32>
        %get3A_100 = arith.constant 3 : index
        %get3A_101 = arith.constant 0 : index
        %get3A_102 = arith.constant 0 : index
        %get3A_103 = vector.load %arg7[%get3A_100, %get3A_101, %get3A_102] : memref<4x768x768xf32, #tpu.memory_space<vmem>>, vector<1x768x768xf32>
        %get3A_104 = vector.shape_cast %get3A_103 : vector<1x768x768xf32> to vector<768x768xf32>
        %dot_general3A = arith.constant dense<0.000000e+00> : vector<64x768xf32>
        %dot_general3A_105 = tpu.matmul %get3A_99, %get3A_104, %dot_general3A {dimension_numbers = #tpu.dot_dimension_numbers<[1], [0], [0], [1], [0, 0, 1, 1], [], []>, transpose_lhs_hint = false} : vector<64x768xf32>, vector<768x768xf32>, vector<64x768xf32> -> vector<64x768xf32>
        %eq3A = vector.broadcast %get3A_96 : i32 to vector<64x64xi32>
        %eq3A_106 = arith.cmpi eq, %iota3A_24, %eq3A : vector<64x64xi32>
        %get3A_107 = arith.constant 0 : index
        %get3A_108 = arith.constant 0 : index
        %get3A_109 = vector.load %arg3[%get3A_107, %get3A_108] : memref<64x64xf32, #tpu.memory_space<vmem>>, vector<64x64xf32>
        %jit3A_110 = arith.constant 0.000000e+00 : f32
        %broadcast_in_dim3A = vector.broadcast %jit3A_110 : f32 to vector<64x64xf32>
        %select_n3A_111 = arith.select %eq3A_106, %get3A_109, %broadcast_in_dim3A : vector<64x64xi1>, vector<64x64xf32>
        %reduce_sum3A = arith.constant dense<0.000000e+00> : vector<64xf32>
        %reduce_sum3A_112 = vector.multi_reduction <add>, %select_n3A_111, %reduce_sum3A [0] : vector<64x64xf32> to vector<64xf32>
        %broadcast_in_dim3A_113 = vector.shape_cast %reduce_sum3A_112 : vector<64xf32> to vector<1x64xf32>
        %eq3A_114 = arith.cmpi eq, %iota3A, %iota3A_23 : vector<64x64xi32>
        %broadcast_in_dim3A_115 = vector.shape_cast %broadcast_in_dim3A_113 : vector<1x64xf32> to vector<1x64xf32>
        %broadcast_in_dim3A_116 = vector.broadcast %broadcast_in_dim3A_115 : vector<1x64xf32> to vector<64x64xf32>
        %jit3A_117 = arith.constant 0.000000e+00 : f32
        %broadcast_in_dim3A_118 = vector.broadcast %jit3A_117 : f32 to vector<64x64xf32>
        %select_n3A_119 = arith.select %eq3A_114, %broadcast_in_dim3A_116, %broadcast_in_dim3A_118 : vector<64x64xi1>, vector<64x64xf32>
        %get3A_120 = arith.constant 0 : index
        %get3A_121 = arith.constant 0 : index
        %get3A_122 = vector.load %arg6[%get3A_120, %get3A_121] : memref<64x768xf32, #tpu.memory_space<vmem>>, vector<64x768xf32>
        %dot_general3A_123 = arith.constant dense<0.000000e+00> : vector<64x768xf32>
        %dot_general3A_124 = tpu.matmul %select_n3A_119, %dot_general3A_105, %dot_general3A_123 {dimension_numbers = #tpu.dot_dimension_numbers<[1], [0], [0], [1], [0, 0, 1, 1], [], []>, transpose_lhs_hint = false} : vector<64x64xf32>, vector<64x768xf32>, vector<64x768xf32> -> vector<64x768xf32>
        %add3A_125 = arith.addf %get3A_122, %dot_general3A_124 : vector<64x768xf32>
        %swap3A_126 = arith.constant 0 : index
        %swap3A_127 = arith.constant 0 : index
        %swap3A_128 = vector.load %arg6[%swap3A_126, %swap3A_127] : memref<64x768xf32, #tpu.memory_space<vmem>>, vector<64x768xf32>
        tpu.vector_store %arg6[%swap3A_126, %swap3A_127], %add3A_125 {strides = array<i32>} : memref<64x768xf32, #tpu.memory_space<vmem>>, vector<64x768xf32>,
        %add3A_129 = arith.constant 4 : i32
        %add3A_130 = arith.addi %add3A_79, %add3A_129 : i32
        %lt3A_131 = arith.cmpi slt, %add3A_130, %get3A_0 : i32
        %convert_element_type3A_132 = arith.extui %lt3A_131 : i1 to i32
        %cond3A_133 = arith.constant 0 : i32
        %cond3A_134 = arith.cmpi ne, %convert_element_type3A_132, %cond3A_133 : i32
        scf.if %cond3A_134 {
          %add3A_135 = arith.constant 4 : i32
          %add3A_136 = arith.addi %add3A_79, %add3A_135 : i32
          %get3A_137 = arith.index_cast %add3A_136 : i32 to index
          %get3A_138 = memref.load %arg0[%get3A_137] : memref<64xi32, #tpu.memory_space<smem>>
          %dma_start3A = arith.constant 3 : i32
          %dma_start3A_139 = tpu.memref_slice %arg8[%dma_start3A] : memref<4x!tpu.dma_semaphore, #tpu.memory_space<semaphore_mem>> -> memref<1x!tpu.dma_semaphore, #tpu.memory_space<semaphore_mem>>
          %dma_start3A_140 = tpu.memref_squeeze %dma_start3A_139 : memref<1x!tpu.dma_semaphore, #tpu.memory_space<semaphore_mem>> -> memref<!tpu.dma_semaphore, #tpu.memory_space<semaphore_mem>>
          %dma_start3A_141 = arith.constant 3 : i32
          %dma_start3A_142 = arith.constant 0 : i32
          %dma_start3A_143 = arith.constant 0 : i32
          %dma_start3A_144 = tpu.memref_slice %arg7[%dma_start3A_141, %dma_start3A_142, %dma_start3A_143] : memref<4x768x768xf32, #tpu.memory_space<vmem>> -> memref<1x768x768xf32, #tpu.memory_space<vmem>>
          %dma_start3A_145 = arith.constant 0 : i32
          %dma_start3A_146 = arith.constant 0 : i32
          %dma_start3A_147 = tpu.memref_slice %arg5[%get3A_138, %dma_start3A_145, %dma_start3A_146] : memref<64x768x768xf32, #tpu.memory_space<hbm>> -> memref<1x768x768xf32, #tpu.memory_space<hbm>>
          tpu.enqueue_dma source(%dma_start3A_147 : memref<1x768x768xf32, #tpu.memory_space<hbm>>) target(%dma_start3A_144 : memref<1x768x768xf32, #tpu.memory_space<vmem>>) target_semaphore(%dma_start3A_140 : memref<!tpu.dma_semaphore, #tpu.memory_space<semaphore_mem>>)
        } else {
        }
      } else {
      }
    }
    %while3A_52 = arith.constant 1 : i32
    scf.for %while3A_53 = %while3A_50 to %while3A_46 step %while3A_52  : i32 {
      %mul3A = arith.constant 4 : i32
      %mul3A_54 = arith.muli %while3A_53, %mul3A : i32
      %add3A_55 = arith.constant 0 : i32
      %add3A_56 = arith.addi %mul3A_54, %add3A_55 : i32
      %lt3A = arith.cmpi slt, %add3A_56, %get3A_0 : i32
      %convert_element_type3A_57 = arith.extui %lt3A : i1 to i32
      %cond3A_58 = arith.constant 0 : i32
      %cond3A_59 = arith.cmpi ne, %convert_element_type3A_57, %cond3A_58 : i32
      scf.if %cond3A_59 {
        %get3A_84 = arith.index_cast %add3A_56 : i32 to index
        %get3A_85 = memref.load %arg0[%get3A_84] : memref<64xi32, #tpu.memory_space<smem>>
        %dma_wait3A = arith.constant 0 : i32
        %dma_wait3A_86 = tpu.memref_slice %arg8[%dma_wait3A] : memref<4x!tpu.dma_semaphore, #tpu.memory_space<semaphore_mem>> -> memref<1x!tpu.dma_semaphore, #tpu.memory_space<semaphore_mem>>
        %dma_wait3A_87 = tpu.memref_squeeze %dma_wait3A_86 : memref<1x!tpu.dma_semaphore, #tpu.memory_space<semaphore_mem>> -> memref<!tpu.dma_semaphore, #tpu.memory_space<semaphore_mem>>
        %dma_wait3A_88 = arith.constant 0 : i32
        %dma_wait3A_89 = arith.constant 0 : i32
        %dma_wait3A_90 = arith.constant 0 : i32
        %dma_wait3A_91 = tpu.memref_slice %arg7[%dma_wait3A_88, %dma_wait3A_89, %dma_wait3A_90] : memref<4x768x768xf32, #tpu.memory_space<vmem>> -> memref<1x768x768xf32, #tpu.memory_space<vmem>>
        %dma_wait3A_92 = arith.constant 0 : i32
        %dma_wait3A_93 = arith.constant 0 : i32
        %dma_wait3A_94 = tpu.memref_slice %arg5[%get3A_85, %dma_wait3A_92, %dma_wait3A_93] : memref<64x768x768xf32, #tpu.memory_space<hbm>> -> memref<1x768x768xf32, #tpu.memory_space<hbm>>
        tpu.wait_dma2 semaphore(%dma_wait3A_87 : memref<!tpu.dma_semaphore, #tpu.memory_space<semaphore_mem>>) src(%dma_wait3A_94 : memref<1x768x768xf32, #tpu.memory_space<hbm>>) dst(%dma_wait3A_91 : memref<1x768x768xf32, #tpu.memory_space<vmem>>)
        %get3A_95 = arith.index_cast %add3A_56 : i32 to index
        %get3A_96 = memref.load %arg0[%get3A_95] : memref<64xi32, #tpu.memory_space<smem>>
        %get3A_97 = arith.constant 0 : index
        %get3A_98 = arith.constant 0 : index
        %get3A_99 = vector.load %arg2[%get3A_97, %get3A_98] : memref<64x768xf32, #tpu.memory_space<vmem>>, vector<64x768xf32>
        %get3A_100 = arith.constant 0 : index
        %get3A_101 = arith.constant 0 : index
        %get3A_102 = arith.constant 0 : index
        %get3A_103 = vector.load %arg7[%get3A_100, %get3A_101, %get3A_102] : memref<4x768x768xf32, #tpu.memory_space<vmem>>, vector<1x768x768xf32>
        %get3A_104 = vector.shape_cast %get3A_103 : vector<1x768x768xf32> to vector<768x768xf32>
        %dot_general3A = arith.constant dense<0.000000e+00> : vector<64x768xf32>
        %dot_general3A_105 = tpu.matmul %get3A_99, %get3A_104, %dot_general3A {dimension_numbers = #tpu.dot_dimension_numbers<[1], [0], [0], [1], [0, 0, 1, 1], [], []>, transpose_lhs_hint = false} : vector<64x768xf32>, vector<768x768xf32>, vector<64x768xf32> -> vector<64x768xf32>
        %eq3A = vector.broadcast %get3A_96 : i32 to vector<64x64xi32>
        %eq3A_106 = arith.cmpi eq, %iota3A_24, %eq3A : vector<64x64xi32>
        %get3A_107 = arith.constant 0 : index
        %get3A_108 = arith.constant 0 : index
        %get3A_109 = vector.load %arg3[%get3A_107, %get3A_108] : memref<64x64xf32, #tpu.memory_space<vmem>>, vector<64x64xf32>
        %jit3A_110 = arith.constant 0.000000e+00 : f32
        %broadcast_in_dim3A = vector.broadcast %jit3A_110 : f32 to vector<64x64xf32>
        %select_n3A_111 = arith.select %eq3A_106, %get3A_109, %broadcast_in_dim3A : vector<64x64xi1>, vector<64x64xf32>
        %reduce_sum3A = arith.constant dense<0.000000e+00> : vector<64xf32>
        %reduce_sum3A_112 = vector.multi_reduction <add>, %select_n3A_111, %reduce_sum3A [0] : vector<64x64xf32> to vector<64xf32>
        %broadcast_in_dim3A_113 = vector.shape_cast %reduce_sum3A_112 : vector<64xf32> to vector<1x64xf32>
        %eq3A_114 = arith.cmpi eq, %iota3A, %iota3A_23 : vector<64x64xi32>
        %broadcast_in_dim3A_115 = vector.shape_cast %broadcast_in_dim3A_113 : vector<1x64xf32> to vector<1x64xf32>
        %broadcast_in_dim3A_116 = vector.broadcast %broadcast_in_dim3A_115 : vector<1x64xf32> to vector<64x64xf32>
        %jit3A_117 = arith.constant 0.000000e+00 : f32
        %broadcast_in_dim3A_118 = vector.broadcast %jit3A_117 : f32 to vector<64x64xf32>
        %select_n3A_119 = arith.select %eq3A_114, %broadcast_in_dim3A_116, %broadcast_in_dim3A_118 : vector<64x64xi1>, vector<64x64xf32>
        %get3A_120 = arith.constant 0 : index
        %get3A_121 = arith.constant 0 : index
        %get3A_122 = vector.load %arg6[%get3A_120, %get3A_121] : memref<64x768xf32, #tpu.memory_space<vmem>>, vector<64x768xf32>
        %dot_general3A_123 = arith.constant dense<0.000000e+00> : vector<64x768xf32>
        %dot_general3A_124 = tpu.matmul %select_n3A_119, %dot_general3A_105, %dot_general3A_123 {dimension_numbers = #tpu.dot_dimension_numbers<[1], [0], [0], [1], [0, 0, 1, 1], [], []>, transpose_lhs_hint = false} : vector<64x64xf32>, vector<64x768xf32>, vector<64x768xf32> -> vector<64x768xf32>
        %add3A_125 = arith.addf %get3A_122, %dot_general3A_124 : vector<64x768xf32>
        %swap3A_126 = arith.constant 0 : index
        %swap3A_127 = arith.constant 0 : index
        %swap3A_128 = vector.load %arg6[%swap3A_126, %swap3A_127] : memref<64x768xf32, #tpu.memory_space<vmem>>, vector<64x768xf32>
        tpu.vector_store %arg6[%swap3A_126, %swap3A_127], %add3A_125 {strides = array<i32>} : memref<64x768xf32, #tpu.memory_space<vmem>>, vector<64x768xf32>,
        %add3A_129 = arith.constant 4 : i32
        %add3A_130 = arith.addi %add3A_56, %add3A_129 : i32
        %lt3A_131 = arith.cmpi slt, %add3A_130, %get3A_0 : i32
        %convert_element_type3A_132 = arith.extui %lt3A_131 : i1 to i32
        %cond3A_133 = arith.constant 0 : i32
        %cond3A_134 = arith.cmpi ne, %convert_element_type3A_132, %cond3A_133 : i32
        scf.if %cond3A_134 {
          %add3A_135 = arith.constant 4 : i32
          %add3A_136 = arith.addi %add3A_56, %add3A_135 : i32
          %get3A_137 = arith.index_cast %add3A_136 : i32 to index
          %get3A_138 = memref.load %arg0[%get3A_137] : memref<64xi32, #tpu.memory_space<smem>>
          %dma_start3A = arith.constant 0 : i32
          %dma_start3A_139 = tpu.memref_slice %arg8[%dma_start3A] : memref<4x!tpu.dma_semaphore, #tpu.memory_space<semaphore_mem>> -> memref<1x!tpu.dma_semaphore, #tpu.memory_space<semaphore_mem>>
          %dma_start3A_140 = tpu.memref_squeeze %dma_start3A_139 : memref<1x!tpu.dma_semaphore, #tpu.memory_space<semaphore_mem>> -> memref<!tpu.dma_semaphore, #tpu.memory_space<semaphore_mem>>
          %dma_start3A_141 = arith.constant 0 : i32
          %dma_start3A_142 = arith.constant 0 : i32
          %dma_start3A_143 = arith.constant 0 : i32
          %dma_start3A_144 = tpu.memref_slice %arg7[%dma_start3A_141, %dma_start3A_142, %dma_start3A_143] : memref<4x768x768xf32, #tpu.memory_space<vmem>> -> memref<1x768x768xf32, #tpu.memory_space<vmem>>
          %dma_start3A_145 = arith.constant 0 : i32
          %dma_start3A_146 = arith.constant 0 : i32
          %dma_start3A_147 = tpu.memref_slice %arg5[%get3A_138, %dma_start3A_145, %dma_start3A_146] : memref<64x768x768xf32, #tpu.memory_space<hbm>> -> memref<1x768x768xf32, #tpu.memory_space<hbm>>
          tpu.enqueue_dma source(%dma_start3A_147 : memref<1x768x768xf32, #tpu.memory_space<hbm>>) target(%dma_start3A_144 : memref<1x768x768xf32, #tpu.memory_space<vmem>>) target_semaphore(%dma_start3A_140 : memref<!tpu.dma_semaphore, #tpu.memory_space<semaphore_mem>>)
        } else {
        }
      } else {
      }
      %mul3A_60 = arith.constant 4 : i32
      %mul3A_61 = arith.muli %while3A_53, %mul3A_60 : i32
      %add3A_62 = arith.constant 1 : i32
      %add3A_63 = arith.addi %mul3A_61, %add3A_62 : i32
      %lt3A_64 = arith.cmpi slt, %add3A_63, %get3A_0 : i32
      %convert_element_type3A_65 = arith.extui %lt3A_64 : i1 to i32
      %cond3A_66 = arith.constant 0 : i32
      %cond3A_67 = arith.cmpi ne, %convert_element_type3A_65, %cond3A_66 : i32
      scf.if %cond3A_67 {
        %get3A_84 = arith.index_cast %add3A_63 : i32 to index
        %get3A_85 = memref.load %arg0[%get3A_84] : memref<64xi32, #tpu.memory_space<smem>>
        %dma_wait3A = arith.constant 1 : i32
        %dma_wait3A_86 = tpu.memref_slice %arg8[%dma_wait3A] : memref<4x!tpu.dma_semaphore, #tpu.memory_space<semaphore_mem>> -> memref<1x!tpu.dma_semaphore, #tpu.memory_space<semaphore_mem>>
        %dma_wait3A_87 = tpu.memref_squeeze %dma_wait3A_86 : memref<1x!tpu.dma_semaphore, #tpu.memory_space<semaphore_mem>> -> memref<!tpu.dma_semaphore, #tpu.memory_space<semaphore_mem>>
        %dma_wait3A_88 = arith.constant 1 : i32
        %dma_wait3A_89 = arith.constant 0 : i32
        %dma_wait3A_90 = arith.constant 0 : i32
        %dma_wait3A_91 = tpu.memref_slice %arg7[%dma_wait3A_88, %dma_wait3A_89, %dma_wait3A_90] : memref<4x768x768xf32, #tpu.memory_space<vmem>> -> memref<1x768x768xf32, #tpu.memory_space<vmem>>
        %dma_wait3A_92 = arith.constant 0 : i32
        %dma_wait3A_93 = arith.constant 0 : i32
        %dma_wait3A_94 = tpu.memref_slice %arg5[%get3A_85, %dma_wait3A_92, %dma_wait3A_93] : memref<64x768x768xf32, #tpu.memory_space<hbm>> -> memref<1x768x768xf32, #tpu.memory_space<hbm>>
        tpu.wait_dma2 semaphore(%dma_wait3A_87 : memref<!tpu.dma_semaphore, #tpu.memory_space<semaphore_mem>>) src(%dma_wait3A_94 : memref<1x768x768xf32, #tpu.memory_space<hbm>>) dst(%dma_wait3A_91 : memref<1x768x768xf32, #tpu.memory_space<vmem>>)
        %get3A_95 = arith.index_cast %add3A_63 : i32 to index
        %get3A_96 = memref.load %arg0[%get3A_95] : memref<64xi32, #tpu.memory_space<smem>>
        %get3A_97 = arith.constant 0 : index
        %get3A_98 = arith.constant 0 : index
        %get3A_99 = vector.load %arg2[%get3A_97, %get3A_98] : memref<64x768xf32, #tpu.memory_space<vmem>>, vector<64x768xf32>
        %get3A_100 = arith.constant 1 : index
        %get3A_101 = arith.constant 0 : index
        %get3A_102 = arith.constant 0 : index
        %get3A_103 = vector.load %arg7[%get3A_100, %get3A_101, %get3A_102] : memref<4x768x768xf32, #tpu.memory_space<vmem>>, vector<1x768x768xf32>
        %get3A_104 = vector.shape_cast %get3A_103 : vector<1x768x768xf32> to vector<768x768xf32>
        %dot_general3A = arith.constant dense<0.000000e+00> : vector<64x768xf32>
        %dot_general3A_105 = tpu.matmul %get3A_99, %get3A_104, %dot_general3A {dimension_numbers = #tpu.dot_dimension_numbers<[1], [0], [0], [1], [0, 0, 1, 1], [], []>, transpose_lhs_hint = false} : vector<64x768xf32>, vector<768x768xf32>, vector<64x768xf32> -> vector<64x768xf32>
        %eq3A = vector.broadcast %get3A_96 : i32 to vector<64x64xi32>
        %eq3A_106 = arith.cmpi eq, %iota3A_24, %eq3A : vector<64x64xi32>
        %get3A_107 = arith.constant 0 : index
        %get3A_108 = arith.constant 0 : index
        %get3A_109 = vector.load %arg3[%get3A_107, %get3A_108] : memref<64x64xf32, #tpu.memory_space<vmem>>, vector<64x64xf32>
        %jit3A_110 = arith.constant 0.000000e+00 : f32
        %broadcast_in_dim3A = vector.broadcast %jit3A_110 : f32 to vector<64x64xf32>
        %select_n3A_111 = arith.select %eq3A_106, %get3A_109, %broadcast_in_dim3A : vector<64x64xi1>, vector<64x64xf32>
        %reduce_sum3A = arith.constant dense<0.000000e+00> : vector<64xf32>
        %reduce_sum3A_112 = vector.multi_reduction <add>, %select_n3A_111, %reduce_sum3A [0] : vector<64x64xf32> to vector<64xf32>
        %broadcast_in_dim3A_113 = vector.shape_cast %reduce_sum3A_112 : vector<64xf32> to vector<1x64xf32>
        %eq3A_114 = arith.cmpi eq, %iota3A, %iota3A_23 : vector<64x64xi32>
        %broadcast_in_dim3A_115 = vector.shape_cast %broadcast_in_dim3A_113 : vector<1x64xf32> to vector<1x64xf32>
        %broadcast_in_dim3A_116 = vector.broadcast %broadcast_in_dim3A_115 : vector<1x64xf32> to vector<64x64xf32>
        %jit3A_117 = arith.constant 0.000000e+00 : f32
        %broadcast_in_dim3A_118 = vector.broadcast %jit3A_117 : f32 to vector<64x64xf32>
        %select_n3A_119 = arith.select %eq3A_114, %broadcast_in_dim3A_116, %broadcast_in_dim3A_118 : vector<64x64xi1>, vector<64x64xf32>
        %get3A_120 = arith.constant 0 : index
        %get3A_121 = arith.constant 0 : index
        %get3A_122 = vector.load %arg6[%get3A_120, %get3A_121] : memref<64x768xf32, #tpu.memory_space<vmem>>, vector<64x768xf32>
        %dot_general3A_123 = arith.constant dense<0.000000e+00> : vector<64x768xf32>
        %dot_general3A_124 = tpu.matmul %select_n3A_119, %dot_general3A_105, %dot_general3A_123 {dimension_numbers = #tpu.dot_dimension_numbers<[1], [0], [0], [1], [0, 0, 1, 1], [], []>, transpose_lhs_hint = false} : vector<64x64xf32>, vector<64x768xf32>, vector<64x768xf32> -> vector<64x768xf32>
        %add3A_125 = arith.addf %get3A_122, %dot_general3A_124 : vector<64x768xf32>
        %swap3A_126 = arith.constant 0 : index
        %swap3A_127 = arith.constant 0 : index
        %swap3A_128 = vector.load %arg6[%swap3A_126, %swap3A_127] : memref<64x768xf32, #tpu.memory_space<vmem>>, vector<64x768xf32>
        tpu.vector_store %arg6[%swap3A_126, %swap3A_127], %add3A_125 {strides = array<i32>} : memref<64x768xf32, #tpu.memory_space<vmem>>, vector<64x768xf32>,
        %add3A_129 = arith.constant 4 : i32
        %add3A_130 = arith.addi %add3A_63, %add3A_129 : i32
        %lt3A_131 = arith.cmpi slt, %add3A_130, %get3A_0 : i32
        %convert_element_type3A_132 = arith.extui %lt3A_131 : i1 to i32
        %cond3A_133 = arith.constant 0 : i32
        %cond3A_134 = arith.cmpi ne, %convert_element_type3A_132, %cond3A_133 : i32
        scf.if %cond3A_134 {
          %add3A_135 = arith.constant 4 : i32
          %add3A_136 = arith.addi %add3A_63, %add3A_135 : i32
          %get3A_137 = arith.index_cast %add3A_136 : i32 to index
          %get3A_138 = memref.load %arg0[%get3A_137] : memref<64xi32, #tpu.memory_space<smem>>
          %dma_start3A = arith.constant 1 : i32
          %dma_start3A_139 = tpu.memref_slice %arg8[%dma_start3A] : memref<4x!tpu.dma_semaphore, #tpu.memory_space<semaphore_mem>> -> memref<1x!tpu.dma_semaphore, #tpu.memory_space<semaphore_mem>>
          %dma_start3A_140 = tpu.memref_squeeze %dma_start3A_139 : memref<1x!tpu.dma_semaphore, #tpu.memory_space<semaphore_mem>> -> memref<!tpu.dma_semaphore, #tpu.memory_space<semaphore_mem>>
          %dma_start3A_141 = arith.constant 1 : i32
          %dma_start3A_142 = arith.constant 0 : i32
          %dma_start3A_143 = arith.constant 0 : i32
          %dma_start3A_144 = tpu.memref_slice %arg7[%dma_start3A_141, %dma_start3A_142, %dma_start3A_143] : memref<4x768x768xf32, #tpu.memory_space<vmem>> -> memref<1x768x768xf32, #tpu.memory_space<vmem>>
          %dma_start3A_145 = arith.constant 0 : i32
          %dma_start3A_146 = arith.constant 0 : i32
          %dma_start3A_147 = tpu.memref_slice %arg5[%get3A_138, %dma_start3A_145, %dma_start3A_146] : memref<64x768x768xf32, #tpu.memory_space<hbm>> -> memref<1x768x768xf32, #tpu.memory_space<hbm>>
          tpu.enqueue_dma source(%dma_start3A_147 : memref<1x768x768xf32, #tpu.memory_space<hbm>>) target(%dma_start3A_144 : memref<1x768x768xf32, #tpu.memory_space<vmem>>) target_semaphore(%dma_start3A_140 : memref<!tpu.dma_semaphore, #tpu.memory_space<semaphore_mem>>)
        } else {
        }
      } else {
      }
      %mul3A_68 = arith.constant 4 : i32
      %mul3A_69 = arith.muli %while3A_53, %mul3A_68 : i32
      %add3A_70 = arith.constant 2 : i32
      %add3A_71 = arith.addi %mul3A_69, %add3A_70 : i32
      %lt3A_72 = arith.cmpi slt, %add3A_71, %get3A_0 : i32
      %convert_element_type3A_73 = arith.extui %lt3A_72 : i1 to i32
      %cond3A_74 = arith.constant 0 : i32
      %cond3A_75 = arith.cmpi ne, %convert_element_type3A_73, %cond3A_74 : i32
      scf.if %cond3A_75 {
        %get3A_84 = arith.index_cast %add3A_71 : i32 to index
        %get3A_85 = memref.load %arg0[%get3A_84] : memref<64xi32, #tpu.memory_space<smem>>
        %dma_wait3A = arith.constant 2 : i32
        %dma_wait3A_86 = tpu.memref_slice %arg8[%dma_wait3A] : memref<4x!tpu.dma_semaphore, #tpu.memory_space<semaphore_mem>> -> memref<1x!tpu.dma_semaphore, #tpu.memory_space<semaphore_mem>>
        %dma_wait3A_87 = tpu.memref_squeeze %dma_wait3A_86 : memref<1x!tpu.dma_semaphore, #tpu.memory_space<semaphore_mem>> -> memref<!tpu.dma_semaphore, #tpu.memory_space<semaphore_mem>>
        %dma_wait3A_88 = arith.constant 2 : i32
        %dma_wait3A_89 = arith.constant 0 : i32
        %dma_wait3A_90 = arith.constant 0 : i32
        %dma_wait3A_91 = tpu.memref_slice %arg7[%dma_wait3A_88, %dma_wait3A_89, %dma_wait3A_90] : memref<4x768x768xf32, #tpu.memory_space<vmem>> -> memref<1x768x768xf32, #tpu.memory_space<vmem>>
        %dma_wait3A_92 = arith.constant 0 : i32
        %dma_wait3A_93 = arith.constant 0 : i32
        %dma_wait3A_94 = tpu.memref_slice %arg5[%get3A_85, %dma_wait3A_92, %dma_wait3A_93] : memref<64x768x768xf32, #tpu.memory_space<hbm>> -> memref<1x768x768xf32, #tpu.memory_space<hbm>>
        tpu.wait_dma2 semaphore(%dma_wait3A_87 : memref<!tpu.dma_semaphore, #tpu.memory_space<semaphore_mem>>) src(%dma_wait3A_94 : memref<1x768x768xf32, #tpu.memory_space<hbm>>) dst(%dma_wait3A_91 : memref<1x768x768xf32, #tpu.memory_space<vmem>>)
        %get3A_95 = arith.index_cast %add3A_71 : i32 to index
        %get3A_96 = memref.load %arg0[%get3A_95] : memref<64xi32, #tpu.memory_space<smem>>
        %get3A_97 = arith.constant 0 : index
        %get3A_98 = arith.constant 0 : index
        %get3A_99 = vector.load %arg2[%get3A_97, %get3A_98] : memref<64x768xf32, #tpu.memory_space<vmem>>, vector<64x768xf32>
        %get3A_100 = arith.constant 2 : index
        %get3A_101 = arith.constant 0 : index
        %get3A_102 = arith.constant 0 : index
        %get3A_103 = vector.load %arg7[%get3A_100, %get3A_101, %get3A_102] : memref<4x768x768xf32, #tpu.memory_space<vmem>>, vector<1x768x768xf32>
        %get3A_104 = vector.shape_cast %get3A_103 : vector<1x768x768xf32> to vector<768x768xf32>
        %dot_general3A = arith.constant dense<0.000000e+00> : vector<64x768xf32>
        %dot_general3A_105 = tpu.matmul %get3A_99, %get3A_104, %dot_general3A {dimension_numbers = #tpu.dot_dimension_numbers<[1], [0], [0], [1], [0, 0, 1, 1], [], []>, transpose_lhs_hint = false} : vector<64x768xf32>, vector<768x768xf32>, vector<64x768xf32> -> vector<64x768xf32>
        %eq3A = vector.broadcast %get3A_96 : i32 to vector<64x64xi32>
        %eq3A_106 = arith.cmpi eq, %iota3A_24, %eq3A : vector<64x64xi32>
        %get3A_107 = arith.constant 0 : index
        %get3A_108 = arith.constant 0 : index
        %get3A_109 = vector.load %arg3[%get3A_107, %get3A_108] : memref<64x64xf32, #tpu.memory_space<vmem>>, vector<64x64xf32>
        %jit3A_110 = arith.constant 0.000000e+00 : f32
        %broadcast_in_dim3A = vector.broadcast %jit3A_110 : f32 to vector<64x64xf32>
        %select_n3A_111 = arith.select %eq3A_106, %get3A_109, %broadcast_in_dim3A : vector<64x64xi1>, vector<64x64xf32>
        %reduce_sum3A = arith.constant dense<0.000000e+00> : vector<64xf32>
        %reduce_sum3A_112 = vector.multi_reduction <add>, %select_n3A_111, %reduce_sum3A [0] : vector<64x64xf32> to vector<64xf32>
        %broadcast_in_dim3A_113 = vector.shape_cast %reduce_sum3A_112 : vector<64xf32> to vector<1x64xf32>
        %eq3A_114 = arith.cmpi eq, %iota3A, %iota3A_23 : vector<64x64xi32>
        %broadcast_in_dim3A_115 = vector.shape_cast %broadcast_in_dim3A_113 : vector<1x64xf32> to vector<1x64xf32>
        %broadcast_in_dim3A_116 = vector.broadcast %broadcast_in_dim3A_115 : vector<1x64xf32> to vector<64x64xf32>
        %jit3A_117 = arith.constant 0.000000e+00 : f32
        %broadcast_in_dim3A_118 = vector.broadcast %jit3A_117 : f32 to vector<64x64xf32>
        %select_n3A_119 = arith.select %eq3A_114, %broadcast_in_dim3A_116, %broadcast_in_dim3A_118 : vector<64x64xi1>, vector<64x64xf32>
        %get3A_120 = arith.constant 0 : index
        %get3A_121 = arith.constant 0 : index
        %get3A_122 = vector.load %arg6[%get3A_120, %get3A_121] : memref<64x768xf32, #tpu.memory_space<vmem>>, vector<64x768xf32>
        %dot_general3A_123 = arith.constant dense<0.000000e+00> : vector<64x768xf32>
        %dot_general3A_124 = tpu.matmul %select_n3A_119, %dot_general3A_105, %dot_general3A_123 {dimension_numbers = #tpu.dot_dimension_numbers<[1], [0], [0], [1], [0, 0, 1, 1], [], []>, transpose_lhs_hint = false} : vector<64x64xf32>, vector<64x768xf32>, vector<64x768xf32> -> vector<64x768xf32>
        %add3A_125 = arith.addf %get3A_122, %dot_general3A_124 : vector<64x768xf32>
        %swap3A_126 = arith.constant 0 : index
        %swap3A_127 = arith.constant 0 : index
        %swap3A_128 = vector.load %arg6[%swap3A_126, %swap3A_127] : memref<64x768xf32, #tpu.memory_space<vmem>>, vector<64x768xf32>
        tpu.vector_store %arg6[%swap3A_126, %swap3A_127], %add3A_125 {strides = array<i32>} : memref<64x768xf32, #tpu.memory_space<vmem>>, vector<64x768xf32>,
        %add3A_129 = arith.constant 4 : i32
        %add3A_130 = arith.addi %add3A_71, %add3A_129 : i32
        %lt3A_131 = arith.cmpi slt, %add3A_130, %get3A_0 : i32
        %convert_element_type3A_132 = arith.extui %lt3A_131 : i1 to i32
        %cond3A_133 = arith.constant 0 : i32
        %cond3A_134 = arith.cmpi ne, %convert_element_type3A_132, %cond3A_133 : i32
        scf.if %cond3A_134 {
          %add3A_135 = arith.constant 4 : i32
          %add3A_136 = arith.addi %add3A_71, %add3A_135 : i32
          %get3A_137 = arith.index_cast %add3A_136 : i32 to index
          %get3A_138 = memref.load %arg0[%get3A_137] : memref<64xi32, #tpu.memory_space<smem>>
          %dma_start3A = arith.constant 2 : i32
          %dma_start3A_139 = tpu.memref_slice %arg8[%dma_start3A] : memref<4x!tpu.dma_semaphore, #tpu.memory_space<semaphore_mem>> -> memref<1x!tpu.dma_semaphore, #tpu.memory_space<semaphore_mem>>
          %dma_start3A_140 = tpu.memref_squeeze %dma_start3A_139 : memref<1x!tpu.dma_semaphore, #tpu.memory_space<semaphore_mem>> -> memref<!tpu.dma_semaphore, #tpu.memory_space<semaphore_mem>>
          %dma_start3A_141 = arith.constant 2 : i32
          %dma_start3A_142 = arith.constant 0 : i32
          %dma_start3A_143 = arith.constant 0 : i32
          %dma_start3A_144 = tpu.memref_slice %arg7[%dma_start3A_141, %dma_start3A_142, %dma_start3A_143] : memref<4x768x768xf32, #tpu.memory_space<vmem>> -> memref<1x768x768xf32, #tpu.memory_space<vmem>>
          %dma_start3A_145 = arith.constant 0 : i32
          %dma_start3A_146 = arith.constant 0 : i32
          %dma_start3A_147 = tpu.memref_slice %arg5[%get3A_138, %dma_start3A_145, %dma_start3A_146] : memref<64x768x768xf32, #tpu.memory_space<hbm>> -> memref<1x768x768xf32, #tpu.memory_space<hbm>>
          tpu.enqueue_dma source(%dma_start3A_147 : memref<1x768x768xf32, #tpu.memory_space<hbm>>) target(%dma_start3A_144 : memref<1x768x768xf32, #tpu.memory_space<vmem>>) target_semaphore(%dma_start3A_140 : memref<!tpu.dma_semaphore, #tpu.memory_space<semaphore_mem>>)
        } else {
        }
      } else {
      }
      %mul3A_76 = arith.constant 4 : i32
      %mul3A_77 = arith.muli %while3A_53, %mul3A_76 : i32
      %add3A_78 = arith.constant 3 : i32
      %add3A_79 = arith.addi %mul3A_77, %add3A_78 : i32
      %lt3A_80 = arith.cmpi slt, %add3A_79, %get3A_0 : i32
      %convert_element_type3A_81 = arith.extui %lt3A_80 : i1 to i32
      %cond3A_82 = arith.constant 0 : i32
      %cond3A_83 = arith.cmpi ne, %convert_element_type3A_81, %cond3A_82 : i32
      scf.if %cond3A_83 {
        %get3A_84 = arith.index_cast %add3A_79 : i32 to index
        %get3A_85 = memref.load %arg0[%get3A_84] : memref<64xi32, #tpu.memory_space<smem>>
        %dma_wait3A = arith.constant 3 : i32
        %dma_wait3A_86 = tpu.memref_slice %arg8[%dma_wait3A] : memref<4x!tpu.dma_semaphore, #tpu.memory_space<semaphore_mem>> -> memref<1x!tpu.dma_semaphore, #tpu.memory_space<semaphore_mem>>
        %dma_wait3A_87 = tpu.memref_squeeze %dma_wait3A_86 : memref<1x!tpu.dma_semaphore, #tpu.memory_space<semaphore_mem>> -> memref<!tpu.dma_semaphore, #tpu.memory_space<semaphore_mem>>
        %dma_wait3A_88 = arith.constant 3 : i32
        %dma_wait3A_89 = arith.constant 0 : i32
        %dma_wait3A_90 = arith.constant 0 : i32
        %dma_wait3A_91 = tpu.memref_slice %arg7[%dma_wait3A_88, %dma_wait3A_89, %dma_wait3A_90] : memref<4x768x768xf32, #tpu.memory_space<vmem>> -> memref<1x768x768xf32, #tpu.memory_space<vmem>>
        %dma_wait3A_92 = arith.constant 0 : i32
        %dma_wait3A_93 = arith.constant 0 : i32
        %dma_wait3A_94 = tpu.memref_slice %arg5[%get3A_85, %dma_wait3A_92, %dma_wait3A_93] : memref<64x768x768xf32, #tpu.memory_space<hbm>> -> memref<1x768x768xf32, #tpu.memory_space<hbm>>
        tpu.wait_dma2 semaphore(%dma_wait3A_87 : memref<!tpu.dma_semaphore, #tpu.memory_space<semaphore_mem>>) src(%dma_wait3A_94 : memref<1x768x768xf32, #tpu.memory_space<hbm>>) dst(%dma_wait3A_91 : memref<1x768x768xf32, #tpu.memory_space<vmem>>)
        %get3A_95 = arith.index_cast %add3A_79 : i32 to index
        %get3A_96 = memref.load %arg0[%get3A_95] : memref<64xi32, #tpu.memory_space<smem>>
        %get3A_97 = arith.constant 0 : index
        %get3A_98 = arith.constant 0 : index
        %get3A_99 = vector.load %arg2[%get3A_97, %get3A_98] : memref<64x768xf32, #tpu.memory_space<vmem>>, vector<64x768xf32>
        %get3A_100 = arith.constant 3 : index
        %get3A_101 = arith.constant 0 : index
        %get3A_102 = arith.constant 0 : index
        %get3A_103 = vector.load %arg7[%get3A_100, %get3A_101, %get3A_102] : memref<4x768x768xf32, #tpu.memory_space<vmem>>, vector<1x768x768xf32>
        %get3A_104 = vector.shape_cast %get3A_103 : vector<1x768x768xf32> to vector<768x768xf32>
        %dot_general3A = arith.constant dense<0.000000e+00> : vector<64x768xf32>
        %dot_general3A_105 = tpu.matmul %get3A_99, %get3A_104, %dot_general3A {dimension_numbers = #tpu.dot_dimension_numbers<[1], [0], [0], [1], [0, 0, 1, 1], [], []>, transpose_lhs_hint = false} : vector<64x768xf32>, vector<768x768xf32>, vector<64x768xf32> -> vector<64x768xf32>
        %eq3A = vector.broadcast %get3A_96 : i32 to vector<64x64xi32>
        %eq3A_106 = arith.cmpi eq, %iota3A_24, %eq3A : vector<64x64xi32>
        %get3A_107 = arith.constant 0 : index
        %get3A_108 = arith.constant 0 : index
        %get3A_109 = vector.load %arg3[%get3A_107, %get3A_108] : memref<64x64xf32, #tpu.memory_space<vmem>>, vector<64x64xf32>
        %jit3A_110 = arith.constant 0.000000e+00 : f32
        %broadcast_in_dim3A = vector.broadcast %jit3A_110 : f32 to vector<64x64xf32>
        %select_n3A_111 = arith.select %eq3A_106, %get3A_109, %broadcast_in_dim3A : vector<64x64xi1>, vector<64x64xf32>
        %reduce_sum3A = arith.constant dense<0.000000e+00> : vector<64xf32>
        %reduce_sum3A_112 = vector.multi_reduction <add>, %select_n3A_111, %reduce_sum3A [0] : vector<64x64xf32> to vector<64xf32>
        %broadcast_in_dim3A_113 = vector.shape_cast %reduce_sum3A_112 : vector<64xf32> to vector<1x64xf32>
        %eq3A_114 = arith.cmpi eq, %iota3A, %iota3A_23 : vector<64x64xi32>
        %broadcast_in_dim3A_115 = vector.shape_cast %broadcast_in_dim3A_113 : vector<1x64xf32> to vector<1x64xf32>
        %broadcast_in_dim3A_116 = vector.broadcast %broadcast_in_dim3A_115 : vector<1x64xf32> to vector<64x64xf32>
        %jit3A_117 = arith.constant 0.000000e+00 : f32
        %broadcast_in_dim3A_118 = vector.broadcast %jit3A_117 : f32 to vector<64x64xf32>
        %select_n3A_119 = arith.select %eq3A_114, %broadcast_in_dim3A_116, %broadcast_in_dim3A_118 : vector<64x64xi1>, vector<64x64xf32>
        %get3A_120 = arith.constant 0 : index
        %get3A_121 = arith.constant 0 : index
        %get3A_122 = vector.load %arg6[%get3A_120, %get3A_121] : memref<64x768xf32, #tpu.memory_space<vmem>>, vector<64x768xf32>
        %dot_general3A_123 = arith.constant dense<0.000000e+00> : vector<64x768xf32>
        %dot_general3A_124 = tpu.matmul %select_n3A_119, %dot_general3A_105, %dot_general3A_123 {dimension_numbers = #tpu.dot_dimension_numbers<[1], [0], [0], [1], [0, 0, 1, 1], [], []>, transpose_lhs_hint = false} : vector<64x64xf32>, vector<64x768xf32>, vector<64x768xf32> -> vector<64x768xf32>
        %add3A_125 = arith.addf %get3A_122, %dot_general3A_124 : vector<64x768xf32>
        %swap3A_126 = arith.constant 0 : index
        %swap3A_127 = arith.constant 0 : index
        %swap3A_128 = vector.load %arg6[%swap3A_126, %swap3A_127] : memref<64x768xf32, #tpu.memory_space<vmem>>, vector<64x768xf32>
        tpu.vector_store %arg6[%swap3A_126, %swap3A_127], %add3A_125 {strides = array<i32>} : memref<64x768xf32, #tpu.memory_space<vmem>>, vector<64x768xf32>,
        %add3A_129 = arith.constant 4 : i32
        %add3A_130 = arith.addi %add3A_79, %add3A_129 : i32
        %lt3A_131 = arith.cmpi slt, %add3A_130, %get3A_0 : i32
        %convert_element_type3A_132 = arith.extui %lt3A_131 : i1 to i32
        %cond3A_133 = arith.constant 0 : i32
        %cond3A_134 = arith.cmpi ne, %convert_element_type3A_132, %cond3A_133 : i32
        scf.if %cond3A_134 {
          %add3A_135 = arith.constant 4 : i32
          %add3A_136 = arith.addi %add3A_79, %add3A_135 : i32
          %get3A_137 = arith.index_cast %add3A_136 : i32 to index
          %get3A_138 = memref.load %arg0[%get3A_137] : memref<64xi32, #tpu.memory_space<smem>>
          %dma_start3A = arith.constant 3 : i32
          %dma_start3A_139 = tpu.memref_slice %arg8[%dma_start3A] : memref<4x!tpu.dma_semaphore, #tpu.memory_space<semaphore_mem>> -> memref<1x!tpu.dma_semaphore, #tpu.memory_space<semaphore_mem>>
          %dma_start3A_140 = tpu.memref_squeeze %dma_start3A_139 : memref<1x!tpu.dma_semaphore, #tpu.memory_space<semaphore_mem>> -> memref<!tpu.dma_semaphore, #tpu.memory_space<semaphore_mem>>
          %dma_start3A_141 = arith.constant 3 : i32
          %dma_start3A_142 = arith.constant 0 : i32
          %dma_start3A_143 = arith.constant 0 : i32
          %dma_start3A_144 = tpu.memref_slice %arg7[%dma_start3A_141, %dma_start3A_142, %dma_start3A_143] : memref<4x768x768xf32, #tpu.memory_space<vmem>> -> memref<1x768x768xf32, #tpu.memory_space<vmem>>
          %dma_start3A_145 = arith.constant 0 : i32
          %dma_start3A_146 = arith.constant 0 : i32
          %dma_start3A_147 = tpu.memref_slice %arg5[%get3A_138, %dma_start3A_145, %dma_start3A_146] : memref<64x768x768xf32, #tpu.memory_space<hbm>> -> memref<1x768x768xf32, #tpu.memory_space<hbm>>
          tpu.enqueue_dma source(%dma_start3A_147 : memref<1x768x768xf32, #tpu.memory_space<hbm>>) target(%dma_start3A_144 : memref<1x768x768xf32, #tpu.memory_space<vmem>>) target_semaphore(%dma_start3A_140 : memref<!tpu.dma_semaphore, #tpu.memory_space<semaphore_mem>>)
        } else {
        }
      } else {
      }
    }
    return
  }
}

</mosaic_0001>

<sc_bundles>
// kernel: kernel.5.cloned.1.call-start
scs
__scs_entry_jumppad:
0x0: {  	(pc) =	sbr.rel $0x88, $3  }
0x1: {  	(tag) =	ssettag $0x0;
	lr =	simm.s32 $0x1  }
0x2: {  	[smem:$0x3F9C] =	sst lr;
	_ =	strace $0xD0000000  }
0x3: {  	_ = 	snop  }
0x4: {  	_ = 	snop  }
0x5: {  	_ = 	snop  }
0x6: {  	_ = 	snop  }
0x7: {  	_ = 	snop  }
__scs_overlays_trampoline_lowered:
0x8: {  	[smem:$0x3FAB] =	sst s0  }
0x9: {  	[smem:$0x3FAC] =	sst s1  }
0xa: {  	[smem:$0x3FAD] =	sst s2  }
0xb: {  	[smem:$0x3FAE] =	sst s3  }
0xc: {  	[smem:$0x3FAF] =	sst s4  }
0xd: {  	[smem:$0x3FB0] =	sst s5  }
0xe: {  	[smem:$0x3FB1] =	sst s6  }
0xf: {  	[smem:$0x3FB2] =	sst s7  }
0x10: {  	[smem:$0x3FB3] =	sst s8  }
0x11: {  	[smem:$0x3FB4] =	sst s9;
	s0 =	simm.s32 @!p0 $0x0  }
0x12: {  	s1 =	sld [smem:$0x3F9A];
	s0 =	simm.s32 @p0 $0x1  }
0x13: {  	[smem:$0x3FB5] =	sst s0;
	s0 =	simm.s32 @!p1 $0x0  }
0x14: {  	s2 =	sld [smem:$0x3F99];
	s0 =	simm.s32 @p1 $0x1  }
0x15: {  	[smem:$0x3FB6] =	sst s0;
	s0 =	simm.s32 @!p2 $0x0  }
0x16: {  	s3 =	sld [smem:$0x3FDB];
	s0 =	simm.s32 @p2 $0x1  }
0x17: {  	s4 =	simm.s32 $0x1BF5;
	[smem:$0x3FB8] =	sst s0  }
0x18: {  	s0 =	sld [smem:$0x3F9B];
	_ =	swait.ge [sflag:s4], $0x0  }
0x19: {  	s7 =	sld [smem:$0x3F9C]  }
0x1a: {  	s8 =	sadd.s32 $0xFFFFE003, lr  }
0x1b: {  	s9 =	sadd.s32 $0xFFFFFEF7, lr;
	s5 =	simm.s32 $0xFFFFFFFF;
	p2 =	slt.u32 s8, $0xFFFFF086  }
0x1c: {  	p1 =	slt.u32 s9, $0xF7A;
	s5 =	simm.s32 @!p2 $0x0  }
0x1d: {  	s5 =	simm.s32 @p1 $0x1;
	p0 =	seq.s32 s7, s2  }
0x1e: {  	s7 =	smul.u32 @!p0 $0xF7A, s2;
	p2 =	seq.s32 @!p0 s5, $0x0  }
0x1f: {  	s9 =	smul.u32 $0xF7A, s1;
	s8 =	simm.s32 @!p0 $0x1BF5;
	p2 =	por !p2, p0  }
0x20: {  	[sflag:s8] =	ssyncset.s32 @!p0 $0xFFFFF086;
	s6 =	sadd.s32 @!p0 s3, s7;
	s7 =	simm.s32 @!p0 $0x108  }
0x21: {  	s3 =	sadd.s32 s3, s9;
	s6 =	sadd.s32 @!p0 $0x88, s6;
	s7 =	simm.s32 @p2 $0x1082  }
0x22: {  	[simem:s7], [sflag:s8] =	dma.local @!p0 [hbm:s6], $0xF7A  }
0x23: {  	s9 =	sor.u32 $0xD0000000, s2;
	s6 =	simm.s32 $0x108;
	_ =	swait.ge @!p0 [sflag:s8], $0x0  }
0x24: {  	s3 =	sadd.s32 $0x88, s3;
	s6 =	simm.s32 @!p1 $0x1082;
	[sflag:s4] =	ssyncset.s32 $0xFFFFF086  }
0x25: {  	[simem:s6], [sflag:s4] =	dma.local [hbm:s3], $0xF7A  }
0x26: {  	[smem:$0x3F9C] =	sst s1;
	(tag) =	ssettag s2;
	_ =	strace s9  }
0x27: {  	s1 =	sld [smem:$0x3FAC]  }
0x28: {  	s2 =	sld [smem:$0x3FAD]  }
0x29: {  	s4 =	sld [smem:$0x3FAF]  }
0x2a: {  	p0 =	seq.s32 s5, $0x0;
	s5 =	sld [smem:$0x3FB0]  }
0x2b: {  	s6 =	sld [smem:$0x3FB1]  }
0x2c: {  	s7 =	sld [smem:$0x3FB2]  }
0x2d: {  	s3 =	simm.s32 $0x108;
	s8 =	sld [smem:$0x3FB3]  }
0x2e: {  	s3 =	simm.s32 @!p0 $0x1082;
	s9 =	sld [smem:$0x3FB4]  }
0x2f: {  	lr =	sadd.s32 s0, s3;
	s0 =	sld [smem:$0x3FAB]  }
0x30: {  	s3 =	sld [smem:$0x3FAE]  }
0x31: {  	[smem:$0x3FB7] =	sst s10  }
0x32: {  	s10 =	sld [smem:$0x3FB5];
	_ =	sdelay $0x3  }
0x33: {  	p0 =	seq.s32 s10, $0x1;
	s10 =	sld [smem:$0x3FB7];
	_ =	sdelay $0x3  }
0x34: {  	[smem:$0x3FB7] =	sst s10  }
0x35: {  	s10 =	sld [smem:$0x3FB6];
	_ =	sdelay $0x3  }
0x36: {  	p1 =	seq.s32 s10, $0x1;
	s10 =	sld [smem:$0x3FB7];
	_ =	sdelay $0x3  }
0x37: {  	[smem:$0x3FB7] =	sst s10  }
0x38: {  	s10 =	sld [smem:$0x3FB8]  }
0x39: {  	_ = 	snop;
	(pc) =	sbr.ind lr, $3  }
0x3a: {  	_ = 	snop  }
0x3b: {  	_ = 	snop  }
0x3c: {  	p2 =	seq.s32 s10, $0x1;
	s10 =	sld [smem:$0x3FB7]  }
0x3d: {  	_ =	shalt  }
0x3e: {  	_ =	shalt  }
0x3f: {  	_ =	shalt  }
0x40: {  	_ =	shalt  }
0x41: {  	_ =	shalt  }
0x42: {  	_ =	shalt  }
0x43: {  	_ =	shalt  }
0x44: {  	_ =	shalt  }
0x45: {  	_ =	shalt  }
0x46: {  	_ =	shalt  }
0x47: {  	_ =	shalt  }
0x48: {  	_ =	shalt  }
0x49: {  	_ =	shalt  }
0x4a: {  	_ =	shalt  }
0x4b: {  	_ =	shalt  }
0x4c: {  	_ =	shalt  }
0x4d: {  	_ =	shalt  }
0x4e: {  	_ =	shalt  }
0x4f: {  	_ =	shalt  }
0x50: {  	_ =	shalt  }
0x51: {  	_ =	shalt  }
0x52: {  	_ =	shalt  }
0x53: {  	_ =	shalt  }
0x54: {  	_ =	shalt  }
0x55: {  	_ =	shalt  }
0x56: {  	_ =	shalt  }
0x57: {  	_ =	shalt  }
0x58: {  	_ =	shalt  }
0x59: {  	_ =	shalt  }
0x5a: {  	_ =	shalt  }
0x5b: {  	_ =	shalt  }
0x5c: {  	_ =	shalt  }
0x5d: {  	_ =	shalt  }
0x5e: {  	_ =	shalt  }
0x5f: {  	_ =	shalt  }
0x60: {  	_ =	shalt  }
0x61: {  	_ =	shalt  }
0x62: {  	_ =	shalt  }
0x63: {  	_ =	shalt  }
0x64: {  	_ =	shalt  }
0x65: {  	_ =	shalt  }
0x66: {  	_ =	shalt  }
0x67: {  	_ =	shalt  }
0x68: {  	_ =	shalt  }
0x69: {  	_ =	shalt  }
0x6a: {  	_ =	shalt  }
0x6b: {  	_ =	shalt  }
0x6c: {  	_ =	shalt  }
0x6d: {  	_ =	shalt  }
0x6e: {  	_ =	shalt  }
0x6f: {  	_ =	shalt  }
0x70: {  	_ =	shalt  }
0x71: {  	_ =	shalt  }
0x72: {  	_ =	shalt  }
0x73: {  	_ =	shalt  }
0x74: {  	_ =	shalt  }
0x75: {  	_ =	shalt  }
0x76: {  	_ =	shalt  }
0x77: {  	_ =	shalt  }
0x78: {  	_ =	shalt  }
0x79: {  	_ =	shalt  }
0x7a: {  	_ =	shalt  }
0x7b: {  	_ =	shalt  }
0x7c: {  	_ =	shalt  }
0x7d: {  	_ =	shalt  }
0x7e: {  	_ =	shalt  }
0x7f: {  	_ =	shalt  }
0x80: {  	_ =	shalt  }
0x81: {  	_ =	shalt  }
0x82: {  	_ =	shalt  }
0x83: {  	_ =	shalt  }
0x84: {  	_ =	shalt  }
0x85: {  	_ =	shalt  }
0x86: {  	_ =	shalt  }
0x87: {  	_ =	shalt  }
.Lfunc_end0:
.L_simem_size_0:
called_computation_lowered:
.L_overlay_start_0:
0x88: {  	s2 =	sld [smem:$0x3FD9]  }
0x89: {  	s3 =	sld [smem:$0x3FFE];
	_ =	sdelay $0x1  }
0x8a: {  	s1 =	srdreg.scid  }
0x8b: {  	s0 =	sand.u32 $0x1, s1  }
0x8c: {  	s17 =	sshll.u32 s0, $0xA;
	s2 =	sadd.s32 s3, s2  }
0x8d: {  	s2 =	sadd.s32 s2, s17  }
0x8e: {  	[smem:$0x3FC3] =	sst s2  }
0x8f: {  	_ = 	snop  }
0x90: {  	s2 =	sld [smem:$0x3FD0];
	(tm) =	ssettm $0x1  }
0x91: {  	s18 =	sld [smem:$0x3FFB];
	_ =	sdelay $0x3  }
0x92: {  	_ =	strace s18  }
0x93: {  	s3 =	sld [smem:$0x3FFC];
	_ =	sdelay $0x3  }
0x94: {  	_ =	strace s3  }
0x95: {  	s3 =	sld [smem:$0x3FFD];
	_ =	sdelay $0x3  }
0x96: {  	_ =	strace s3  }
0x97: {  	_ =	strace $0x8FFFFFFF  }
0x98: {  	s19 =	sld [smem:$0x3FDB];
	_ =	sdelay $0x1  }
0x99: {  	s4 =	simm.s32 $_scs_section_size  }
0x9a: {  	s5 =	simm.s32 $_size__tile_overlayer_lowered;
	s6 =	simm.s32 $_tile_overlayer_lowered  }
0x9b: {  	s22 =	simm.s32 $0x1BFF;
	s21 =	sshll.u32 s6, $0x1;
	s3 =	sadd.s32 s4, s19  }
0x9c: {  	s7 =	simm.s32 $0x0;
	s20 =	sshll.u32 s5, $0x1;
	s5 =	sadd.s32 s21, s3  }
0x9d: {  	[timem:s7], [sflag:s22] =	dma.local [hbm:s5], s20  }
0x9e: {  	_ =	swait.ge [sflag:s22], s20  }
0x9f: {  	s4 =	ssub.s32 $0x0, s20;
	[sflag:s22] =	ssyncset.done $0x0  }
0xa0: {  	[sflag:s22] =	ssyncadd.s32 s4;
	_ =	sdelay $0x1  }
0xa1: {  	s23 =	simm.s32 $0x1B8B  }
0xa2: {  	_ =	swait.ge [sflag:s23], $0x1  }
0xa3: {  	[sflag:s23] =	ssyncset.done $0x0  }
0xa4: {  	s25 =	simm.s32 $0x1B8E;
	s24 =	sld [smem:$0x3FFE];
	[sflag:s23] =	ssyncadd.s32 $0xFFFFFFFF  }
0xa5: {  	s26 =	simm.s32 $execute0_lowered;
	[smem:$0x3FD2] =	sst s25  }
0xa6: {  	s5 =	sshll.u32 s26, $0x1;
	_ =	strace $0x80000046;
	[dreg:$0x1] =	wrdreg $0xFFFFFFFF  }
0xa7: {  	s28 =	simm.s32 $_size_execute0_lowered;
	s3 =	sadd.s32 s3, s5;
	[dreg:$0x0] =	wrdreg $0x0  }
0xa8: {  	s5 =	sshll.u32 s28, $0x1;
	[dreg:$0x2] =	wrdreg s3  }
0xa9: {  	[dreg:$0x3] =	wrdreg s5  }
0xaa: {  	[dreg:$0x4] =	wrdreg $0xC0  }
0xab: {  	_ =	task [dreg:s7], $0x5FFFF  }
0xac: {  	[dreg:$0x1] =	wrdreg $0xFFFFFFFF  }
0xad: {  	[dreg:$0x0] =	wrdreg $0x60  }
0xae: {  	[dreg:$0x2] =	wrdreg s2  }
0xaf: {  	[dreg:$0x3] =	wrdreg s24  }
0xb0: {  	[dreg:$0x4] =	wrdreg $0x9  }
0xb1: {  	_ =	task.clear_ibuf [dreg:s7], $0x5FFFF;
	_ =	strace $0x90000046  }
0xb2: {  	s29 =	simm.s32 $0x9;
	_ =	strace $0x80000048  }
0xb3: {  	_ =	swait.ge [sflag:s29], $0x1  }
0xb4: {  	[sflag:s29] =	ssyncadd.s32 $0xFFFFFFFF  }
0xb5: {  	_ =	strace $0x90000048  }
0xb6: {  	_ =	sfence  }
0xb7: {  	s30 =	sld [smem:$0x0];
	_ =	sdelay $0x2  }
0xb8: {  	s31 =	sshll.u32 s1, $0xD;
	s1 =	sshrl.u32 s1, $0x2  }
0xb9: {  	s3 =	sand.u32 $0x4000, s31;
	s1 =	sadd.s32 s1, s30  }
0xba: {  	s0 =	sor.u32 s3, s0;
	s1 =	sshll.u32 s1, $0x11  }
0xbb: {  	s0 =	sor.u32 s1, s0  }
0xbc: {  	s0 =	sadd.s32 $0x8F2B, s0  }
0xbd: {  	[sflag:s0] =	ssyncadd.remote.s32 $0x1  }
0xbe: {  	_ =	sfence.sel $0xFFFF  }
0xbf: {  	[dreg:$0x0] =	wrdreg $0xFFFFFFFF;
	(pc) =	sbr.abs _section_cstart, $3  }
0xc0: {  	[dreg:$0x1] =	wrdreg $0xFFFFFFFF  }
0xc1: {  	_ =	task.clear_ibuf [dreg:s7], $0x2FFFF;
	_ =	strace $0x9FFFFFFF  }
0xc2: {  	(tm) =	ssettm $0x7FFFFFFF  }
0xc3: {  	_ =	shalt  }
tec
execute0_lowered:
.L_overlay_start_1:
0x0: {  	(tag) =	ssettag $0x1  }
0x1: {  	s1 =	rddreg [dreg:$0x0]  }
0x2: {  	s9 =	rddreg [dreg:$0x1]  }
0x3: {  	s0 =	rddreg [dreg:$0x2]  }
0x4: {  	_ =	strace $0x80000047;
	s2 =	simm.s32 $0x0;
	s3 =	simm.s32 $0x1  }
0x5: {  	[tilespmem:s2], [sflag:$0x1] =	stream.linear.gather [hbm4b:s1+s2], $0x80, $0x38;
	[tilespmem:$0x180] =	vst v63  }
0x6: {  	_ =	swait.ge [sflag:s3], $0x80  }
0x7: {  	[sflag:s3] =	ssyncset.done $0x0  }
0x8: {  	[sflag:s3] =	ssyncadd.s32 $0xFFFFFF80  }
0x9: {  	v1 =	vld [tilespmem:$0x0];
	_ =	sdelay $0x4  }
0xa: {  	v0 =	vimm.s32 $0x0;
	vm0 =	vgt.s32 v1, $0x0  }
0xb: {  	v1 =	vsel vm0, $0x1, v0  }
0xc: {  	(xrf0) =	vadd.scan.msk.s32 $0xffff, v1  }
0xd: {  	v4 =	vld [tilespmem:$0x10];
	_ =	sdelay $0x2  }
0xe: {  	v1 =	vlaneseq.u32  }
0xf: {  	v2 =	vor.u32 $0x80000010, v1;
	v3 =	vor.u32 $0x80000000, v1  }
0x10: {  	vm1 =	vgt.s32 v4, $0x0;
	v5 =	vsel vm0, v3, v2;
	v6, _, _ =	vpop (xrf0)  }
0x11: {  	v4 =	vor.u32 $0x10, v1;
	v7 =	vsel vm1, v3, v2;
	(xrf1) =	vsort.ascd.msk.u32 $0xffff, v5, v1;
	(v2sf) =	vpush v6, $0xF  }
0x12: {  	(xrf1) =	vsort.ascd.msk.u32 $0xffff, v7, v4;
	_ =	sdelay $0xa  }
0x13: {  	v5 =	vnsel vm0, $0x80000000, v3  }
0x14: {  	(xrf0) =	vmax.scan.msk.u32 $0xffff, v5;
	v5 =	vnsel vm1, $0x80000000, v2  }
0x15: {  	(xrf0) =	vmax.scan.msk.u32 $0xffff, v5;
	v5 =	vsel vm1, $0x1, v0;
	_, v6, _ =	vpop (xrf1)  }
0x16: {  	(xrf0) =	vadd.scan.msk.s32 $0xffff, v5;
	[tilespmem:$0x80] =	vst v6;
	_, v6, _ =	vpop (xrf1);
	s4 =	spop (v2sf)  }
0x17: {  	[tilespmem:s4+$0x80] =	vst v6  }
0x18: {  	v5 =	vld [tilespmem:$0x20];
	_ =	sdelay $0x1  }
0x19: {  	v6, _, _ =	vpop (xrf0)  }
0x1a: {  	(v2sf) =	vpush v6, $0xF;
	v6, _, _ =	vpop (xrf0)  }
0x1b: {  	(v2sf) =	vpush v6, $0xF;
	v6, _, _ =	vpop (xrf0)  }
0x1c: {  	(v2sf) =	vpush v6, $0xF;
	vm10 =	vgt.s32 v5, $0x0  }
0x1d: {  	v5 =	vor.u32 $0x20, v1;
	v6 =	vsel vm10, v3, v2  }
0x1e: {  	(xrf1) =	vsort.ascd.msk.u32 $0xffff, v6, v5;
	_ =	sdelay $0xa  }
0x1f: {  	s5 =	spop (v2sf)  }
0x20: {  	s6 =	spop (v2sf)  }
0x21: {  	s7 =	spop (v2sf)  }
0x22: {  	s4 =	sadd.s32 s4, s7;
	_, v6, _ =	vpop (xrf1)  }
0x23: {  	[tilespmem:s4+$0x80] =	vst v6  }
0x24: {  	v8 =	vld [tilespmem:$0x30];
	_ =	sdelay $0x2  }
0x25: {  	v7 =	vsel vm10, $0x1, v0;
	v6 =	vor.u32 $0x80000020, v1  }
0x26: {  	(xrf0) =	vadd.scan.msk.s32 $0xffff, v7;
	v9 =	vnsel vm10, $0x80000000, v6  }
0x27: {  	v7 =	vor.u32 $0x80000030, v1;
	(xrf0) =	vmax.scan.msk.u32 $0xffff, v9;
	vm11 =	vgt.s32 v8, $0x0  }
0x28: {  	v8 =	vnsel vm11, $0x80000000, v7  }
0x29: {  	(xrf0) =	vmax.scan.msk.u32 $0xffff, v8;
	v8 =	vsel vm11, $0x1, v0;
	_ =	sdelay $0x1  }
0x2a: {  	(xrf0) =	vadd.scan.msk.s32 $0xffff, v8  }
0x2b: {  	v8, _, _ =	vpop (xrf0)  }
0x2c: {  	v9, _, _ =	vpop (xrf0);
	(v2sf) =	vpush v8, $0xF  }
0x2d: {  	(v2sf) =	vpush v9, $0xF;
	v9 =	vsel vm11, v3, v2  }
0x2e: {  	v8 =	vor.u32 $0x30, v1;
	v10, _, _ =	vpop (xrf0)  }
0x2f: {  	(xrf1) =	vsort.ascd.msk.u32 $0xffff, v9, v8;
	(v2sf) =	vpush v10, $0xF  }
0x30: {  	v9, _, _ =	vpop (xrf0)  }
0x31: {  	(v2sf) =	vpush v9, $0xF;
	_ =	sdelay $0x9  }
0x32: {  	s5 =	sxor.u32 $0x80000000, s5;
	s6 =	sxor.u32 $0x80000000, s6;
	s24 =	spop (v2sf)  }
0x33: {  	p0 =	sgt.s32 s5, s6;
	s8 =	spop (v2sf)  }
0x34: {  	s6 =	smov.u32 @p0 s5;
	s4 =	sadd.s32 s4, s24;
	_, v9, _ =	vpop (xrf1);
	s5 =	sxor.u32 $0x80000000, s8  }
0x35: {  	[tilespmem:s4+$0x80] =	vst v9;
	p0 =	sgt.s32 s6, s5;
	s25 =	spop (v2sf)  }
0x36: {  	v9 =	vld [tilespmem:$0x80];
	s5 =	smov.u32 @p0 s6;
	s6 =	sxor.u32 $0x80000000, s25  }
0x37: {  	s28 =	srdreg.scid;
	v10 =	vld [tilespmem:$0xA0];
	s26 =	spop (v2sf);
	p0 =	sgt.s32 s5, s6  }
0x38: {  	v11 =	vld [tilespmem:$0x90];
	s4 =	sadd.s32 s4, s26;
	s6 =	smov.u32 @p0 s5;
	s5 =	sand.u32 $0x1, s28  }
0x39: {  	v12 =	vld [tilespmem:$0xB0];
	v13 =	vmov s4;
	p0 =	sgt.s32 s6, $0x0;
	s29 =	ssub.s32 $0x2, s5  }
0x3a: {  	s6 =	simm.s32 @!p0 $0x0;
	vm12 =	vgt.s32 v13, v1;
	s30 =	sshrl.u32 s29, $0x1  }
0x3b: {  	s4 =	stileid.u32;
	[tilespmem:$0x100] =	vst v13;
	vm13 =	vgt.s32 v13, v5;
	v9 =	vnsel vm12, s6, v9;
	s7 =	ssub.s32 s29, s30  }
0x3c: {  	vm14 =	vgt.s32 v13, v4;
	s31 =	sor.u32 s4, s5;
	v10 =	vnsel vm13, s6, v10;
	[tilespmem:$0x80] =	vst v9;
	s10 =	smax.u32 s7, $0x1  }
0x3d: {  	vm15 =	vgt.s32 v13, v8;
	p0 =	sne.s32 s31, $0x0;
	v9 =	vnsel vm14, s6, v11;
	[tilespmem:$0xA0] =	vst v10;
	s10 =	sadd.s32 $0xFFFFFFFF, s10  }
0x3e: {  	s5 =	sadd.s32 $0x1000, s9;
	v10 =	vnsel vm15, s6, v12;
	s7 =	simm.s32 @!p0 $0x0;
	[tilespmem:$0x90] =	vst v9;
	p1 =	sne.s32 s10, $0x0  }
.Ltmp0:
0x3f: {  	s8 =	simm.s32 @!p0 $0x80;
	s6 =	simm.s32 @!p0 $0x1;
	[tilespmem:$0xB0] =	vst v10;
	(pc) =	sbr.rel @!p1 .LBB2_2-.Ltmp0, $4  }
0x40: {  	[hbm4b:s5+s7] =	stream.linear.scatter @!p0 [tilespmem:s8], [sflag:$0x1], $0x40, $0x38;
	[tilespmem:$0x180] =	vst v63  }
0x41: {  	_ =	swait.ge @!p0 [sflag:s6], $0x40  }
0x42: {  	[sflag:s6] =	ssyncset.done @!p0 $0x0  }
0x43: {  	s9 =	sadd.s32 $0x1200, s9;
	s11 =	simm.s32 @!p0 $0x100;
	[sflag:s6] =	ssyncadd.s32 @!p0 $0xFFFFFFC0  }
.LBB2_1:
0x44: {  	[hbm4b:s9+s7] =	stream.linear.scatter @!p0 [tilespmem:s11], [sflag:$0x1], $0x80, $0x38;
	[tilespmem:$0x180] =	vst v63  }
0x45: {  	s10 =	sadd.s32 $0xFFFFFFFF, s10;
	_ =	swait.ge @!p0 [sflag:s6], $0x80  }
0x46: {  	p1 =	sne.s32 s10, $0x0;
	[sflag:s6] =	ssyncset.done @!p0 $0x0  }
0x47: {  	[sflag:s6] =	ssyncadd.s32 @!p0 $0xFFFFFF80  }
0x48: {  	[tilespmem:s2], [sflag:$0x1] =	stream.linear.gather [hbm4b:s1+s2], $0x80, $0x38;
	[tilespmem:$0x180] =	vst v63  }
0x49: {  	_ =	swait.ge [sflag:s3], $0x80  }
0x4a: {  	[sflag:s3] =	ssyncset.done $0x0  }
0x4b: {  	[sflag:s3] =	ssyncadd.s32 $0xFFFFFF80  }
0x4c: {  	v9 =	vld [tilespmem:$0x0];
	_ =	sdelay $0x4  }
0x4d: {  	vm0 =	vgt.s32 v9, $0x0  }
0x4e: {  	v9 =	vsel vm0, v3, v2;
	v10 =	vsel vm0, $0x1, v0;
	v11 =	vnsel vm0, $0x80000000, v3  }
0x4f: {  	(xrf0) =	vadd.scan.msk.s32 $0xffff, v10  }
0x50: {  	v10 =	vld [tilespmem:$0x10];
	(xrf0) =	vmax.scan.msk.u32 $0xffff, v11;
	_ =	sdelay $0x4  }
0x51: {  	vm0 =	vgt.s32 v10, $0x0;
	v10, _, _ =	vpop (xrf0)  }
0x52: {  	v11 =	vsel vm0, v3, v2;
	v12 =	vnsel vm0, $0x80000000, v2;
	(xrf1) =	vsort.ascd.msk.u32 $0xffff, v9, v1;
	(v2sf) =	vpush v10, $0xF;
	v9, _, _ =	vpop (xrf0)  }
0x53: {  	(v2sf) =	vpush v9, $0xF;
	(xrf1) =	vsort.ascd.msk.u32 $0xffff, v11, v4  }
0x54: {  	(xrf0) =	vmax.scan.msk.u32 $0xffff, v12;
	_ =	sdelay $0x5  }
0x55: {  	v9, _, _ =	vpop (xrf0)  }
0x56: {  	(v2sf) =	vpush v9, $0xF;
	_ =	sdelay $0x4  }
0x57: {  	v9 =	vsel vm0, $0x1, v0;
	_, v10, _ =	vpop (xrf1)  }
0x58: {  	[tilespmem:$0x80] =	vst v10;
	s13 =	spop (v2sf);
	_, v10, _ =	vpop (xrf1);
	(xrf0) =	vadd.scan.msk.s32 $0xffff, v9  }
0x59: {  	[tilespmem:s13+$0x80] =	vst v10;
	s12 =	spop (v2sf)  }
0x5a: {  	v9 =	vld [tilespmem:$0x20];
	_ =	sdelay $0x3  }
0x5b: {  	v10, _, _ =	vpop (xrf0)  }
0x5c: {  	vm0 =	vgt.s32 v9, $0x0;
	(v2sf) =	vpush v10, $0xF  }
0x5d: {  	v9 =	vsel vm0, v3, v2;
	v10 =	vsel vm0, $0x1, v0;
	v11 =	vnsel vm0, $0x80000000, v6  }
0x5e: {  	s14 =	spop (v2sf);
	(xrf1) =	vsort.ascd.msk.u32 $0xffff, v9, v5  }
0x5f: {  	s15 =	sxor.u32 $0x80000000, s12;
	s12 =	sxor.u32 $0x80000000, s14;
	(xrf0) =	vadd.scan.msk.s32 $0xffff, v10  }
0x60: {  	p2 =	sgt.s32 s15, s12;
	(xrf0) =	vmax.scan.msk.u32 $0xffff, v11;
	_ =	sdelay $0x4  }
0x61: {  	v9, _, _ =	vpop (xrf0)  }
0x62: {  	(v2sf) =	vpush v9, $0xF;
	v9, _, _ =	vpop (xrf0)  }
0x63: {  	(v2sf) =	vpush v9, $0xF;
	_ =	sdelay $0x3  }
0x64: {  	s14 =	spop (v2sf)  }
0x65: {  	s13 =	sadd.s32 s13, s14;
	_, v9, _ =	vpop (xrf1)  }
0x66: {  	[tilespmem:s13+$0x80] =	vst v9  }
0x67: {  	v9 =	vld [tilespmem:$0x30];
	_ =	sdelay $0x4  }
0x68: {  	vm0 =	vgt.s32 v9, $0x0  }
0x69: {  	v9 =	vsel vm0, v3, v2;
	v10 =	vsel vm0, $0x1, v0;
	v11 =	vnsel vm0, $0x80000000, v7  }
0x6a: {  	s14 =	spop (v2sf);
	(xrf0) =	vmax.scan.msk.u32 $0xffff, v11  }
0x6b: {  	s16 =	spop (v2sf);
	(xrf0) =	vadd.scan.msk.s32 $0xffff, v10  }
0x6c: {  	s12 =	smov.u32 @p2 s15;
	s15 =	sxor.u32 $0x80000000, s16;
	(xrf1) =	vsort.ascd.msk.u32 $0xffff, v9, v8  }
0x6d: {  	p2 =	sgt.s32 s12, s15;
	_ =	sdelay $0x2  }
0x6e: {  	v9, _, _ =	vpop (xrf0)  }
0x6f: {  	v10, _, _ =	vpop (xrf0);
	(v2sf) =	vpush v9, $0xF  }
0x70: {  	(v2sf) =	vpush v10, $0xF;
	_ =	sdelay $0x7  }
0x71: {  	s13 =	sadd.s32 s13, s14;
	_, v9, _ =	vpop (xrf1)  }
0x72: {  	[tilespmem:s13+$0x80] =	vst v9  }
0x73: {  	v9 =	vld [tilespmem:$0x80]  }
0x74: {  	v10 =	vld [tilespmem:$0x90]  }
0x75: {  	v11 =	vld [tilespmem:$0xA0]  }
0x76: {  	v12 =	vld [tilespmem:$0xB0]  }
0x77: {  	s14 =	spop (v2sf)  }
0x78: {  	s15 =	smov.u32 @p2 s12;
	s12 =	sxor.u32 $0x80000000, s14;
	s14 =	spop (v2sf)  }
0x79: {  	s13 =	sadd.s32 s13, s14;
	p2 =	sgt.s32 s15, s12  }
0x7a: {  	s12 =	smov.u32 @p2 s15;
	v13 =	vmov s13  }
0x7b: {  	p2 =	sgt.s32 s12, $0x0;
	vm0 =	vgt.s32 v13, v8;
	[tilespmem:$0x100] =	vst v13  }
0x7c: {  	vm1 =	vgt.s32 v13, v1;
	vm2 =	vgt.s32 v13, v4;
	vm3 =	vgt.s32 v13, v5;
	s12 =	simm.s32 @!p2 $0x0  }
0x7d: {  	v9 =	vnsel vm1, s12, v9;
	v10 =	vnsel vm2, s12, v10;
	v11 =	vnsel vm3, s12, v11  }
0x7e: {  	[tilespmem:$0x80] =	vst v9;
	v9 =	vnsel vm0, s12, v12  }
0x7f: {  	[tilespmem:$0xA0] =	vst v11  }
0x80: {  	[tilespmem:$0x90] =	vst v10  }
.Ltmp1:
0x81: {  	[tilespmem:$0xB0] =	vst v9;
	(pc) =	sbr.rel @p1 .LBB2_1-.Ltmp1, $4  }
0x82: {  	[hbm4b:s5+s7] =	stream.linear.scatter @!p0 [tilespmem:s8], [sflag:$0x1], $0x40, $0x38;
	[tilespmem:$0x180] =	vst v63  }
0x83: {  	_ =	swait.ge @!p0 [sflag:s6], $0x40  }
0x84: {  	[sflag:s6] =	ssyncset.done @!p0 $0x0  }
0x85: {  	[sflag:s6] =	ssyncadd.s32 @!p0 $0xFFFFFFC0  }
.LBB2_2:
0x86: {  	[hbm4b:s9+s7] =	stream.linear.scatter @!p0 [tilespmem:s11], [sflag:$0x1], $0x80, $0x38;
	[tilespmem:$0x180] =	vst v63  }
0x87: {  	_ =	swait.ge @!p0 [sflag:s6], $0x80  }
0x88: {  	[sflag:s6] =	ssyncset.done @!p0 $0x0  }
0x89: {  	[sflag:s6] =	ssyncadd.s32 @!p0 $0xFFFFFF80  }
0x8a: {  	_ =	sfence.sel $0x180000  }
0x8b: {  	[bflag:$0x0] =	sbarrier.arrive $0xFFFF  }
0x8c: {  	p0 =	sne.s32 s4, $0x0;
	_ =	strace $0x90000047  }
0x8d: {  	s0 =	sadd.s32 @!p0 $0x100000, s0;
	[bflag:$0x2] =	sbarrier.arrive $0xFFFF  }
0x8e: {  	[sflag:s0] =	ssyncadd.tile.s32 @!p0 $0x1;
	_ =	shalt  }
.Lfunc_end2:
_tile_overlayer_lowered:
.L_overlay_start_2:
0x8f: {  	(tag) =	ssettag $0x2  }
0x90: {  	s0 =	rddreg [dreg:$0x0];
	s2 =	stileid.u32  }
0x91: {  	s1 =	rddreg [dreg:$0x1];
	p0 =	sne.s32 s2, $0x0  }
0x92: {  	s3 =	rddreg [dreg:$0x2];
	[bflag:$0x3] =	sbarrier.arrive $0xFFFF;
	s2 =	simm.s32 @!p0 $0x1C01  }
0x93: {  	[timem:s3], [sflag:s2] =	dma.local @!p0 [hbm:s0], s1  }
0x94: {  	s0 =	simm.s32 @!p0 $0x1  }
0x95: {  	_ =	swait.ge @!p0 [sflag:s0], s1  }
0x96: {  	s1 =	ssub.s32 @!p0 $0x0, s1;
	[sflag:s0] =	ssyncset.done @!p0 $0x0  }
0x97: {  	[sflag:s0] =	ssyncadd.s32 @!p0 s1  }
0x98: {  	[bflag:$0x3] =	sbarrier.arrive $0xFFFF  }
0x99: {  	_ =	shalt  }

</sc_bundles>
